<compile_context>
chip_gen: v7x
topology: tpu7x:2x2x1
jax: 0.10.2.dev20260603
libtpu: 0.0.44.dev20260713+nightly
codegen_flags: <defaults>
</compile_context>

<pallas_src>
import functools

import jax
import jax.numpy as jnp
from jax import lax
from jax.experimental import pallas as pl
from jax.experimental.pallas import tpu as pltpu
from jax.experimental.pallas import tpu_sc as plsc

_C = 512
_BINS = 10
_TBLK = 1024
_CH = 8
_NCH = _C // _CH

_NC = 2
_NS = 16
_NW = _NC * _NS
_L = 16


def _dense_body(x_ref, lbl_ref, raw_ref, bin_ref):
    lbl = lbl_ref[0]

    m8 = x_ref[0, 0:_CH, :]
    for k in range(1, _NCH):
        m8 = jnp.maximum(m8, x_ref[0, k * _CH:(k + 1) * _CH, :])
    m = jnp.max(m8, axis=0, keepdims=True)
    mb = jnp.broadcast_to(m, (_CH, _TBLK))
    iota8 = jax.lax.broadcasted_iota(jnp.int32, (_CH, _TBLK), 0)
    lblb = jnp.broadcast_to(lbl, (_CH, _TBLK)) - iota8
    s8 = jnp.zeros((_CH, _TBLK), jnp.float32)
    xl8 = jnp.zeros((_CH, _TBLK), jnp.float32)
    for k in range(_NCH):
        x = x_ref[0, k * _CH:(k + 1) * _CH, :]
        s8 = s8 + jnp.exp(x - mb)
        xl8 = xl8 + jnp.where(lblb == k * _CH, x, 0.0)
    s = jnp.sum(s8, axis=0, keepdims=True)
    xl = jnp.sum(xl8, axis=0, keepdims=True)
    lse = m + jnp.log(s)

    p = jnp.exp(xl - lse)
    gd = jnp.abs(p - 1.0)
    raw_ref[0, 0] = lse - xl
    bin_ref[0, 0] = jnp.clip(jnp.floor(gd * _BINS).astype(jnp.int32), 0, _BINS - 1)


def _sc_body(raw_hbm, lbl_hbm, bin_hbm, cls_hbm, gd_hbm, out_hbm,
             raw_v, lbl_v, bin_v, cls_v, gd_v, acc_v, pw):
    wid = lax.axis_index("s") * _NC + lax.axis_index("c")
    base = wid * pw
    pltpu.sync_copy(raw_hbm.at[pl.ds(base, pw)], raw_v)
    pltpu.sync_copy(lbl_hbm.at[pl.ds(base, pw)], lbl_v)
    pltpu.sync_copy(bin_hbm.at[pl.ds(base, pw)], bin_v)
    pltpu.sync_copy(cls_hbm, cls_v)
    pltpu.sync_copy(gd_hbm, gd_v)

    def step(i, acc):
        sl = pl.ds(i * _L, _L)
        cw = plsc.load_gather(cls_v, [lbl_v[sl]])
        gw = plsc.load_gather(gd_v, [bin_v[sl]])
        x = cw * gw
        ii = 0x5F3759DF - jnp.right_shift(plsc.bitcast(x, jnp.int32), 1)
        y = plsc.bitcast(ii, jnp.float32)
        y = y * (1.5 - 0.5 * x * y * y)
        y = y * (1.5 - 0.5 * x * y * y)
        y = y * (1.5 - 0.5 * x * y * y)
        inv = jnp.minimum(y, 1e10)
        return acc + raw_v[sl] * inv

    acc = jax.lax.fori_loop(0, pw // _L, step, jnp.zeros((_L,), jnp.float32))
    acc_v[...] = acc
    pltpu.sync_copy(acc_v, out_hbm.at[wid])


def kernel(pred_logits, target_label, GD_ema, class_ema):
    B, C, T = pred_logits.shape
    nT = T // _TBLK
    ntok = B * T
    pw = ntok // _NW

    lbl3 = target_label.reshape(B, 1, T)
    raw, bins = pl.pallas_call(
        _dense_body,
        grid=(B, nT),
        in_specs=[
            pl.BlockSpec((1, C, _TBLK), lambda b, t: (b, 0, t)),
            pl.BlockSpec((1, 1, _TBLK), lambda b, t: (b, 0, t)),
        ],
        out_specs=[
            pl.BlockSpec((1, 1, 1, _TBLK), lambda b, t: (b, t, 0, 0)),
            pl.BlockSpec((1, 1, 1, _TBLK), lambda b, t: (b, t, 0, 0)),
        ],
        out_shape=[
            jax.ShapeDtypeStruct((B, nT, 1, _TBLK), jnp.float32),
            jax.ShapeDtypeStruct((B, nT, 1, _TBLK), jnp.int32),
        ],
        compiler_params=pltpu.CompilerParams(
            dimension_semantics=("parallel", "parallel"),
        ),
    )(pred_logits, lbl3)

    gd16 = jnp.pad(GD_ema, (0, _L - _BINS))
    mesh = plsc.VectorSubcoreMesh(core_axis_name="c", subcore_axis_name="s")
    sc = pl.kernel(
        functools.partial(_sc_body, pw=pw),
        out_type=jax.ShapeDtypeStruct((_NW, _L), jnp.float32),
        mesh=mesh,
        scratch_types=[
            pltpu.VMEM((pw,), jnp.float32),
            pltpu.VMEM((pw,), jnp.int32),
            pltpu.VMEM((pw,), jnp.int32),
            pltpu.VMEM((_C,), jnp.float32),
            pltpu.VMEM((_L,), jnp.float32),
            pltpu.VMEM((_L,), jnp.float32),
        ],
        compiler_params=pltpu.CompilerParams(needs_layout_passes=False),
    )
    parts = sc(raw.reshape(ntok), target_label.reshape(ntok), bins.reshape(ntok),
               class_ema, gd16)
    return jnp.sum(parts) / ntok

# --- scband reference (transcript-rebuilt; emitter-appended) ---
"""Pipeline reference for scband-ghmloss-31061203485129 (READ-ONLY COPY).

The authoritative reference and input builder live on the scoring server;
editing this copy changes nothing except your own understanding.
"""

import jax, jax.numpy as jnp
import numpy as np

NUM_CLASSES = 512
NUM_BINS = 10
LABEL_SMOOTHING = 0.0


def setup_inputs(seed: int = 0) -> dict:
    key = jax.random.key(seed)
    k1, k2 = jax.random.split(key)
    pred_logits = jax.random.normal(k1, (16, 512, 4096), dtype=jnp.float32)
    target_label = jax.random.randint(k2, (16, 4096), 0, NUM_CLASSES)
    GD_ema = jnp.ones((NUM_BINS,), dtype=jnp.float32)
    class_ema = jnp.ones((NUM_CLASSES,), dtype=jnp.float32)
    return {"pred_logits": pred_logits, "target_label": target_label,
            "GD_ema": GD_ema, "class_ema": class_ema}


def reference(pred_logits, target_label, GD_ema, class_ema):
    B, C, T = pred_logits.shape
    mask = jnp.ones_like(pred_logits)
    time_mask = jnp.any(mask > 0, axis=1).astype(jnp.float32)  # [B, T]
    valid_elements = jnp.clip(jnp.sum(time_mask), 1.0, None)
    pred_logits_masked = pred_logits - 1e9 * (1.0 - mask)
    target_prob = jax.nn.one_hot(target_label, C, dtype=jnp.float32)  # [B, T, C]
    target_prob = jnp.clip(target_prob, LABEL_SMOOTHING, 1.0 - LABEL_SMOOTHING)
    target_prob = jnp.transpose(target_prob, (0, 2, 1)) * mask  # [B, C, T]
    # CrossEntropyLoss(reduction='none') with soft targets over class dim=1
    log_probs = jax.nn.log_softmax(pred_logits_masked, axis=1)
    raw_loss = -jnp.sum(target_prob * log_probs, axis=1)  # [B, T]
    pred_probs = jax.lax.stop_gradient(jax.nn.softmax(pred_logits_masked, axis=1))
    GD = jnp.abs(pred_probs - target_prob)  # [B, C, T]
    GD_target = jnp.take_along_axis(GD, target_label[:, None, :], axis=1)[:, 0, :]  # [B, T]
    GD_index = jnp.clip(jnp.floor(GD_target * NUM_BINS).astype(jnp.int32), 0, NUM_BINS - 1)
    class_weights = jax.lax.stop_gradient(jnp.take(class_ema, target_label, axis=0))
    GD_weights = jax.lax.stop_gradient(jnp.take(GD_ema, GD_index, axis=0))
    weights = jnp.sqrt(class_weights * GD_weights)
    loss_weighted = raw_loss / jnp.clip(weights, 1e-10, None) * time_mask
    loss_final = jnp.sum(loss_weighted) / valid_elements
    return loss_final

if __name__ == "__main__":
    import jax
    _d = setup_inputs()
    print(jax.jit(kernel)(*tuple(_d.values())))

</pallas_src>

<mosaic_0001>
#map = affine_map<(d0, d1) -> (0)>
#map1 = affine_map<(d0, d1) -> (0, 0)>
module attributes {stable_mosaic.version = 14 : i64} {
  func.func @_sc_body(%arg0: i32, %arg1: i32, %arg2: memref<65536xf32, #tpu.memory_space<hbm>>, %arg3: memref<65536xi32, #tpu.memory_space<hbm>>, %arg4: memref<65536xi32, #tpu.memory_space<hbm>>, %arg5: memref<512xf32, #tpu.memory_space<hbm>>, %arg6: memref<16xf32, #tpu.memory_space<hbm>>, %arg7: memref<32x16xf32, #tpu.memory_space<hbm>>, %arg8: memref<2048xf32, #tpu.memory_space<vmem>>, %arg9: memref<2048xi32, #tpu.memory_space<vmem>>, %arg10: memref<2048xi32, #tpu.memory_space<vmem>>, %arg11: memref<512xf32, #tpu.memory_space<vmem>>, %arg12: memref<16xf32, #tpu.memory_space<vmem>>, %arg13: memref<16xf32, #tpu.memory_space<vmem>>) attributes {dimension_semantics = [#tpu.dimension_semantics<core_parallel>, #tpu.dimension_semantics<subcore_parallel>], iteration_bounds = array<i64: 2, 16>, scalar_prefetch = 0 : i64, scratch_operands = 6 : i64, tpu.core_type = #tpu.core_type<sc_vector_subcore>, window_params = [{transform_indices = #map}, {transform_indices = #map}, {transform_indices = #map}, {transform_indices = #map}, {transform_indices = #map}, {transform_indices = #map1}]} {
    %mul3A = arith.constant 2 : i32
    %mul3A_0 = arith.muli %arg1, %mul3A : i32
    %add3A = arith.addi %mul3A_0, %arg0 : i32
    %mul3A_1 = arith.constant 2048 : i32
    %mul3A_2 = arith.muli %add3A, %mul3A_1 : i32
    "tpu.region"() ({
      %run_scoped3A = tpu.sem_alloc : memref<!tpu.dma_semaphore, #tpu.memory_space<semaphore_mem>>
      %dma_start3A = tpu.memref_slice %arg2[%mul3A_2] : memref<65536xf32, #tpu.memory_space<hbm>> -> memref<2048xf32, #tpu.memory_space<hbm>>
      %dma_start3A_10 = tpu.memref_slice %arg2[%mul3A_2] : memref<65536xf32, #tpu.memory_space<hbm>> -> memref<2048xf32, #tpu.memory_space<hbm>>
      tpu.enqueue_dma source(%dma_start3A_10 : memref<2048xf32, #tpu.memory_space<hbm>>) target(%arg8 : memref<2048xf32, #tpu.memory_space<vmem>>) target_semaphore(%run_scoped3A : memref<!tpu.dma_semaphore, #tpu.memory_space<semaphore_mem>>)
      %dma_wait3A = tpu.memref_slice %arg2[%mul3A_2] : memref<65536xf32, #tpu.memory_space<hbm>> -> memref<2048xf32, #tpu.memory_space<hbm>>
      %dma_wait3A_11 = tpu.memref_slice %arg2[%mul3A_2] : memref<65536xf32, #tpu.memory_space<hbm>> -> memref<2048xf32, #tpu.memory_space<hbm>>
      tpu.wait_dma2 semaphore(%run_scoped3A : memref<!tpu.dma_semaphore, #tpu.memory_space<semaphore_mem>>) src(%dma_wait3A_11 : memref<2048xf32, #tpu.memory_space<hbm>>) dst(%arg8 : memref<2048xf32, #tpu.memory_space<vmem>>)
      tpu.yield
    }) : () -> ()
    "tpu.region"() ({
      %run_scoped3A = tpu.sem_alloc : memref<!tpu.dma_semaphore, #tpu.memory_space<semaphore_mem>>
      %dma_start3A = tpu.memref_slice %arg3[%mul3A_2] : memref<65536xi32, #tpu.memory_space<hbm>> -> memref<2048xi32, #tpu.memory_space<hbm>>
      %dma_start3A_10 = tpu.memref_slice %arg3[%mul3A_2] : memref<65536xi32, #tpu.memory_space<hbm>> -> memref<2048xi32, #tpu.memory_space<hbm>>
      tpu.enqueue_dma source(%dma_start3A_10 : memref<2048xi32, #tpu.memory_space<hbm>>) target(%arg9 : memref<2048xi32, #tpu.memory_space<vmem>>) target_semaphore(%run_scoped3A : memref<!tpu.dma_semaphore, #tpu.memory_space<semaphore_mem>>)
      %dma_wait3A = tpu.memref_slice %arg3[%mul3A_2] : memref<65536xi32, #tpu.memory_space<hbm>> -> memref<2048xi32, #tpu.memory_space<hbm>>
      %dma_wait3A_11 = tpu.memref_slice %arg3[%mul3A_2] : memref<65536xi32, #tpu.memory_space<hbm>> -> memref<2048xi32, #tpu.memory_space<hbm>>
      tpu.wait_dma2 semaphore(%run_scoped3A : memref<!tpu.dma_semaphore, #tpu.memory_space<semaphore_mem>>) src(%dma_wait3A_11 : memref<2048xi32, #tpu.memory_space<hbm>>) dst(%arg9 : memref<2048xi32, #tpu.memory_space<vmem>>)
      tpu.yield
    }) : () -> ()
    "tpu.region"() ({
      %run_scoped3A = tpu.sem_alloc : memref<!tpu.dma_semaphore, #tpu.memory_space<semaphore_mem>>
      %dma_start3A = tpu.memref_slice %arg4[%mul3A_2] : memref<65536xi32, #tpu.memory_space<hbm>> -> memref<2048xi32, #tpu.memory_space<hbm>>
      %dma_start3A_10 = tpu.memref_slice %arg4[%mul3A_2] : memref<65536xi32, #tpu.memory_space<hbm>> -> memref<2048xi32, #tpu.memory_space<hbm>>
      tpu.enqueue_dma source(%dma_start3A_10 : memref<2048xi32, #tpu.memory_space<hbm>>) target(%arg10 : memref<2048xi32, #tpu.memory_space<vmem>>) target_semaphore(%run_scoped3A : memref<!tpu.dma_semaphore, #tpu.memory_space<semaphore_mem>>)
      %dma_wait3A = tpu.memref_slice %arg4[%mul3A_2] : memref<65536xi32, #tpu.memory_space<hbm>> -> memref<2048xi32, #tpu.memory_space<hbm>>
      %dma_wait3A_11 = tpu.memref_slice %arg4[%mul3A_2] : memref<65536xi32, #tpu.memory_space<hbm>> -> memref<2048xi32, #tpu.memory_space<hbm>>
      tpu.wait_dma2 semaphore(%run_scoped3A : memref<!tpu.dma_semaphore, #tpu.memory_space<semaphore_mem>>) src(%dma_wait3A_11 : memref<2048xi32, #tpu.memory_space<hbm>>) dst(%arg10 : memref<2048xi32, #tpu.memory_space<vmem>>)
      tpu.yield
    }) : () -> ()
    "tpu.region"() ({
      %run_scoped3A = tpu.sem_alloc : memref<!tpu.dma_semaphore, #tpu.memory_space<semaphore_mem>>
      tpu.enqueue_dma source(%arg5 : memref<512xf32, #tpu.memory_space<hbm>>) target(%arg11 : memref<512xf32, #tpu.memory_space<vmem>>) target_semaphore(%run_scoped3A : memref<!tpu.dma_semaphore, #tpu.memory_space<semaphore_mem>>)
      tpu.wait_dma2 semaphore(%run_scoped3A : memref<!tpu.dma_semaphore, #tpu.memory_space<semaphore_mem>>) src(%arg5 : memref<512xf32, #tpu.memory_space<hbm>>) dst(%arg11 : memref<512xf32, #tpu.memory_space<vmem>>)
      tpu.yield
    }) : () -> ()
    "tpu.region"() ({
      %run_scoped3A = tpu.sem_alloc : memref<!tpu.dma_semaphore, #tpu.memory_space<semaphore_mem>>
      tpu.enqueue_dma source(%arg6 : memref<16xf32, #tpu.memory_space<hbm>>) target(%arg12 : memref<16xf32, #tpu.memory_space<vmem>>) target_semaphore(%run_scoped3A : memref<!tpu.dma_semaphore, #tpu.memory_space<semaphore_mem>>)
      tpu.wait_dma2 semaphore(%run_scoped3A : memref<!tpu.dma_semaphore, #tpu.memory_space<semaphore_mem>>) src(%arg6 : memref<16xf32, #tpu.memory_space<hbm>>) dst(%arg12 : memref<16xf32, #tpu.memory_space<vmem>>)
      tpu.yield
    }) : () -> ()
    %broadcast_in_dim3A = arith.constant 0.000000e+00 : f32
    %broadcast_in_dim3A_3 = vector.broadcast %broadcast_in_dim3A : f32 to vector<16xf32>
    %scan3A = arith.constant 0 : i32
    %scan3A_4 = arith.constant 128 : i32
    %scan3A_5 = arith.addi %scan3A, %scan3A_4 : i32
    %scan3A_6 = arith.constant 1 : i32
    %scan3A_7 = scf.for %scan3A_10 = %scan3A to %scan3A_5 step %scan3A_6 iter_args(%scan3A_11 = %broadcast_in_dim3A_3) -> (vector<16xf32>)  : i32 {
      %mul3A_12 = arith.constant 16 : i32
      %mul3A_13 = arith.muli %scan3A_10, %mul3A_12 : i32
      %get3A = arith.index_cast %mul3A_13 : i32 to index
      %get3A_14 = tpu.vector_load %arg9[%get3A] {strides = array<i32>} : memref<2048xi32, #tpu.memory_space<vmem>>, vector<16xi32>,
      %gather3A = tpu.vector_load_idx %arg11[%get3A_14] : memref<512xf32, #tpu.memory_space<vmem>>[vector<16xi32>], vector<16xf32>,
      %get3A_15 = arith.index_cast %mul3A_13 : i32 to index
      %get3A_16 = tpu.vector_load %arg10[%get3A_15] {strides = array<i32>} : memref<2048xi32, #tpu.memory_space<vmem>>, vector<16xi32>,
      %gather3A_17 = tpu.vector_load_idx %arg12[%get3A_16] : memref<16xf32, #tpu.memory_space<vmem>>[vector<16xi32>], vector<16xf32>,
      %mul3A_18 = arith.mulf %gather3A, %gather3A_17 : vector<16xf32>
      %bitcast3A = vector.bitcast %mul3A_18 : vector<16xf32> to vector<16xi32>
      %shift_right_arithmetic3A = arith.constant 1 : i32
      %shift_right_arithmetic3A_19 = vector.broadcast %shift_right_arithmetic3A : i32 to vector<16xi32>
      %shift_right_arithmetic3A_20 = arith.shrsi %bitcast3A, %shift_right_arithmetic3A_19 : vector<16xi32>
      %sub3A = arith.constant 1597463007 : i32
      %sub3A_21 = vector.broadcast %sub3A : i32 to vector<16xi32>
      %sub3A_22 = arith.subi %sub3A_21, %shift_right_arithmetic3A_20 : vector<16xi32>
      %bitcast3A_23 = vector.bitcast %sub3A_22 : vector<16xi32> to vector<16xf32>
      %mul3A_24 = arith.constant 5.000000e-01 : f32
      %mul3A_25 = vector.broadcast %mul3A_24 : f32 to vector<16xf32>
      %mul3A_26 = arith.mulf %mul3A_25, %mul3A_18 : vector<16xf32>
      %mul3A_27 = arith.mulf %mul3A_26, %bitcast3A_23 : vector<16xf32>
      %mul3A_28 = arith.mulf %mul3A_27, %bitcast3A_23 : vector<16xf32>
      %sub3A_29 = arith.constant 1.500000e+00 : f32
      %sub3A_30 = vector.broadcast %sub3A_29 : f32 to vector<16xf32>
      %sub3A_31 = arith.subf %sub3A_30, %mul3A_28 : vector<16xf32>
      %mul3A_32 = arith.mulf %bitcast3A_23, %sub3A_31 : vector<16xf32>
      %mul3A_33 = arith.constant 5.000000e-01 : f32
      %mul3A_34 = vector.broadcast %mul3A_33 : f32 to vector<16xf32>
      %mul3A_35 = arith.mulf %mul3A_34, %mul3A_18 : vector<16xf32>
      %mul3A_36 = arith.mulf %mul3A_35, %mul3A_32 : vector<16xf32>
      %mul3A_37 = arith.mulf %mul3A_36, %mul3A_32 : vector<16xf32>
      %sub3A_38 = arith.constant 1.500000e+00 : f32
      %sub3A_39 = vector.broadcast %sub3A_38 : f32 to vector<16xf32>
      %sub3A_40 = arith.subf %sub3A_39, %mul3A_37 : vector<16xf32>
      %mul3A_41 = arith.mulf %mul3A_32, %sub3A_40 : vector<16xf32>
      %mul3A_42 = arith.constant 5.000000e-01 : f32
      %mul3A_43 = vector.broadcast %mul3A_42 : f32 to vector<16xf32>
      %mul3A_44 = arith.mulf %mul3A_43, %mul3A_18 : vector<16xf32>
      %mul3A_45 = arith.mulf %mul3A_44, %mul3A_41 : vector<16xf32>
      %mul3A_46 = arith.mulf %mul3A_45, %mul3A_41 : vector<16xf32>
      %sub3A_47 = arith.constant 1.500000e+00 : f32
      %sub3A_48 = vector.broadcast %sub3A_47 : f32 to vector<16xf32>
      %sub3A_49 = arith.subf %sub3A_48, %mul3A_46 : vector<16xf32>
      %mul3A_50 = arith.mulf %mul3A_41, %sub3A_49 : vector<16xf32>
      %min3A = arith.constant 1.000000e+10 : f32
      %min3A_51 = vector.broadcast %min3A : f32 to vector<16xf32>
      %min3A_52 = arith.minimumf %mul3A_50, %min3A_51 : vector<16xf32>
      %get3A_53 = arith.index_cast %mul3A_13 : i32 to index
      %get3A_54 = tpu.vector_load %arg8[%get3A_53] {strides = array<i32>} : memref<2048xf32, #tpu.memory_space<vmem>>, vector<16xf32>,
      %mul3A_55 = arith.mulf %get3A_54, %min3A_52 : vector<16xf32>
      %add3A_56 = arith.addf %scan3A_11, %mul3A_55 : vector<16xf32>
      scf.yield %add3A_56 : vector<16xf32>
    }
    %scan3A_8 = arith.constant 128 : i32
    %swap3A = arith.constant 0 : index
    %swap3A_9 = tpu.vector_load %arg13[%swap3A] {strides = array<i32>} : memref<16xf32, #tpu.memory_space<vmem>>, vector<16xf32>,
    tpu.vector_store %arg13[%swap3A], %scan3A_7 {strides = array<i32>} : memref<16xf32, #tpu.memory_space<vmem>>, vector<16xf32>,
    "tpu.region"() ({
      %run_scoped3A = tpu.sem_alloc : memref<!tpu.dma_semaphore, #tpu.memory_space<semaphore_mem>>
      %dma_start3A = arith.constant 0 : i32
      %dma_start3A_10 = tpu.memref_slice %arg7[%add3A, %dma_start3A] : memref<32x16xf32, #tpu.memory_space<hbm>> -> memref<1x16xf32, #tpu.memory_space<hbm>>
      %dma_start3A_11 = tpu.memref_squeeze %dma_start3A_10 : memref<1x16xf32, #tpu.memory_space<hbm>> -> memref<16xf32, #tpu.memory_space<hbm>>
      %dma_start3A_12 = arith.constant 0 : i32
      %dma_start3A_13 = tpu.memref_slice %arg7[%add3A, %dma_start3A_12] : memref<32x16xf32, #tpu.memory_space<hbm>> -> memref<1x16xf32, #tpu.memory_space<hbm>>
      %dma_start3A_14 = tpu.memref_squeeze %dma_start3A_13 : memref<1x16xf32, #tpu.memory_space<hbm>> -> memref<16xf32, #tpu.memory_space<hbm>>
      tpu.enqueue_dma source(%arg13 : memref<16xf32, #tpu.memory_space<vmem>>) target(%dma_start3A_14 : memref<16xf32, #tpu.memory_space<hbm>>) target_semaphore(%run_scoped3A : memref<!tpu.dma_semaphore, #tpu.memory_space<semaphore_mem>>)
      %dma_wait3A = arith.constant 0 : i32
      %dma_wait3A_15 = tpu.memref_slice %arg7[%add3A, %dma_wait3A] : memref<32x16xf32, #tpu.memory_space<hbm>> -> memref<1x16xf32, #tpu.memory_space<hbm>>
      %dma_wait3A_16 = tpu.memref_squeeze %dma_wait3A_15 : memref<1x16xf32, #tpu.memory_space<hbm>> -> memref<16xf32, #tpu.memory_space<hbm>>
      %dma_wait3A_17 = arith.constant 0 : i32
      %dma_wait3A_18 = tpu.memref_slice %arg7[%add3A, %dma_wait3A_17] : memref<32x16xf32, #tpu.memory_space<hbm>> -> memref<1x16xf32, #tpu.memory_space<hbm>>
      %dma_wait3A_19 = tpu.memref_squeeze %dma_wait3A_18 : memref<1x16xf32, #tpu.memory_space<hbm>> -> memref<16xf32, #tpu.memory_space<hbm>>
      tpu.wait_dma2 semaphore(%run_scoped3A : memref<!tpu.dma_semaphore, #tpu.memory_space<semaphore_mem>>) src(%arg13 : memref<16xf32, #tpu.memory_space<vmem>>) dst(%dma_wait3A_19 : memref<16xf32, #tpu.memory_space<hbm>>)
      tpu.yield
    }) : () -> ()
    return
  }
}

module attributes {stable_mosaic.version = 14 : i64} {
  func.func @_dense_body(%arg0: i32, %arg1: i32, %arg2: memref<1x512x1024xf32, #tpu.memory_space<vmem>>, %arg3: memref<1x1x1024xi32, #tpu.memory_space<vmem>>, %arg4: memref<1x1x1x1024xf32, #tpu.memory_space<vmem>>, %arg5: memref<1x1x1x1024xi32, #tpu.memory_space<vmem>>) attributes {dimension_semantics = [#tpu.dimension_semantics<parallel>, #tpu.dimension_semantics<parallel>], iteration_bounds = array<i64: 16, 4>, scalar_prefetch = 0 : i64, scratch_operands = 0 : i64, tpu.core_type = #tpu.core_type<tc>, window_params = [{transform_indices = @transform_0, window_bounds = array<i64: 1, 512, 1024>}, {transform_indices = @transform_1, window_bounds = array<i64: 1, 1, 1024>}, {transform_indices = @transform_2, window_bounds = array<i64: 1, 1, 1, 1024>}, {transform_indices = @transform_3, window_bounds = array<i64: 1, 1, 1, 1024>}]} {
    %get3A = arith.constant 0 : index
    %get3A_0 = arith.constant 0 : index
    %get3A_1 = arith.constant 0 : index
    %get3A_2 = vector.load %arg3[%get3A, %get3A_0, %get3A_1] : memref<1x1x1024xi32, #tpu.memory_space<vmem>>, vector<1x1x1024xi32>
    %get3A_3 = vector.shape_cast %get3A_2 : vector<1x1x1024xi32> to vector<1x1024xi32>
    %get3A_4 = arith.constant 0 : index
    %get3A_5 = arith.constant 0 : index
    %get3A_6 = arith.constant 0 : index
    %get3A_7 = vector.load %arg2[%get3A_4, %get3A_5, %get3A_6] : memref<1x512x1024xf32, #tpu.memory_space<vmem>>, vector<1x8x1024xf32>
    %get3A_8 = vector.shape_cast %get3A_7 : vector<1x8x1024xf32> to vector<8x1024xf32>
    %get3A_9 = arith.constant 0 : index
    %get3A_10 = arith.constant 8 : index
    %get3A_11 = arith.constant 0 : index
    %get3A_12 = vector.load %arg2[%get3A_9, %get3A_10, %get3A_11] : memref<1x512x1024xf32, #tpu.memory_space<vmem>>, vector<1x8x1024xf32>
    %get3A_13 = vector.shape_cast %get3A_12 : vector<1x8x1024xf32> to vector<8x1024xf32>
    %max3A = arith.maximumf %get3A_8, %get3A_13 : vector<8x1024xf32>
    %get3A_14 = arith.constant 0 : index
    %get3A_15 = arith.constant 16 : index
    %get3A_16 = arith.constant 0 : index
    %get3A_17 = vector.load %arg2[%get3A_14, %get3A_15, %get3A_16] : memref<1x512x1024xf32, #tpu.memory_space<vmem>>, vector<1x8x1024xf32>
    %get3A_18 = vector.shape_cast %get3A_17 : vector<1x8x1024xf32> to vector<8x1024xf32>
    %max3A_19 = arith.maximumf %max3A, %get3A_18 : vector<8x1024xf32>
    %get3A_20 = arith.constant 0 : index
    %get3A_21 = arith.constant 24 : index
    %get3A_22 = arith.constant 0 : index
    %get3A_23 = vector.load %arg2[%get3A_20, %get3A_21, %get3A_22] : memref<1x512x1024xf32, #tpu.memory_space<vmem>>, vector<1x8x1024xf32>
    %get3A_24 = vector.shape_cast %get3A_23 : vector<1x8x1024xf32> to vector<8x1024xf32>
    %max3A_25 = arith.maximumf %max3A_19, %get3A_24 : vector<8x1024xf32>
    %get3A_26 = arith.constant 0 : index
    %get3A_27 = arith.constant 32 : index
    %get3A_28 = arith.constant 0 : index
    %get3A_29 = vector.load %arg2[%get3A_26, %get3A_27, %get3A_28] : memref<1x512x1024xf32, #tpu.memory_space<vmem>>, vector<1x8x1024xf32>
    %get3A_30 = vector.shape_cast %get3A_29 : vector<1x8x1024xf32> to vector<8x1024xf32>
    %max3A_31 = arith.maximumf %max3A_25, %get3A_30 : vector<8x1024xf32>
    %get3A_32 = arith.constant 0 : index
    %get3A_33 = arith.constant 40 : index
    %get3A_34 = arith.constant 0 : index
    %get3A_35 = vector.load %arg2[%get3A_32, %get3A_33, %get3A_34] : memref<1x512x1024xf32, #tpu.memory_space<vmem>>, vector<1x8x1024xf32>
    %get3A_36 = vector.shape_cast %get3A_35 : vector<1x8x1024xf32> to vector<8x1024xf32>
    %max3A_37 = arith.maximumf %max3A_31, %get3A_36 : vector<8x1024xf32>
    %get3A_38 = arith.constant 0 : index
    %get3A_39 = arith.constant 48 : index
    %get3A_40 = arith.constant 0 : index
    %get3A_41 = vector.load %arg2[%get3A_38, %get3A_39, %get3A_40] : memref<1x512x1024xf32, #tpu.memory_space<vmem>>, vector<1x8x1024xf32>
    %get3A_42 = vector.shape_cast %get3A_41 : vector<1x8x1024xf32> to vector<8x1024xf32>
    %max3A_43 = arith.maximumf %max3A_37, %get3A_42 : vector<8x1024xf32>
    %get3A_44 = arith.constant 0 : index
    %get3A_45 = arith.constant 56 : index
    %get3A_46 = arith.constant 0 : index
    %get3A_47 = vector.load %arg2[%get3A_44, %get3A_45, %get3A_46] : memref<1x512x1024xf32, #tpu.memory_space<vmem>>, vector<1x8x1024xf32>
    %get3A_48 = vector.shape_cast %get3A_47 : vector<1x8x1024xf32> to vector<8x1024xf32>
    %max3A_49 = arith.maximumf %max3A_43, %get3A_48 : vector<8x1024xf32>
    %get3A_50 = arith.constant 0 : index
    %get3A_51 = arith.constant 64 : index
    %get3A_52 = arith.constant 0 : index
    %get3A_53 = vector.load %arg2[%get3A_50, %get3A_51, %get3A_52] : memref<1x512x1024xf32, #tpu.memory_space<vmem>>, vector<1x8x1024xf32>
    %get3A_54 = vector.shape_cast %get3A_53 : vector<1x8x1024xf32> to vector<8x1024xf32>
    %max3A_55 = arith.maximumf %max3A_49, %get3A_54 : vector<8x1024xf32>
    %get3A_56 = arith.constant 0 : index
    %get3A_57 = arith.constant 72 : index
    %get3A_58 = arith.constant 0 : index
    %get3A_59 = vector.load %arg2[%get3A_56, %get3A_57, %get3A_58] : memref<1x512x1024xf32, #tpu.memory_space<vmem>>, vector<1x8x1024xf32>
    %get3A_60 = vector.shape_cast %get3A_59 : vector<1x8x1024xf32> to vector<8x1024xf32>
    %max3A_61 = arith.maximumf %max3A_55, %get3A_60 : vector<8x1024xf32>
    %get3A_62 = arith.constant 0 : index
    %get3A_63 = arith.constant 80 : index
    %get3A_64 = arith.constant 0 : index
    %get3A_65 = vector.load %arg2[%get3A_62, %get3A_63, %get3A_64] : memref<1x512x1024xf32, #tpu.memory_space<vmem>>, vector<1x8x1024xf32>
    %get3A_66 = vector.shape_cast %get3A_65 : vector<1x8x1024xf32> to vector<8x1024xf32>
    %max3A_67 = arith.maximumf %max3A_61, %get3A_66 : vector<8x1024xf32>
    %get3A_68 = arith.constant 0 : index
    %get3A_69 = arith.constant 88 : index
    %get3A_70 = arith.constant 0 : index
    %get3A_71 = vector.load %arg2[%get3A_68, %get3A_69, %get3A_70] : memref<1x512x1024xf32, #tpu.memory_space<vmem>>, vector<1x8x1024xf32>
    %get3A_72 = vector.shape_cast %get3A_71 : vector<1x8x1024xf32> to vector<8x1024xf32>
    %max3A_73 = arith.maximumf %max3A_67, %get3A_72 : vector<8x1024xf32>
    %get3A_74 = arith.constant 0 : index
    %get3A_75 = arith.constant 96 : index
    %get3A_76 = arith.constant 0 : index
    %get3A_77 = vector.load %arg2[%get3A_74, %get3A_75, %get3A_76] : memref<1x512x1024xf32, #tpu.memory_space<vmem>>, vector<1x8x1024xf32>
    %get3A_78 = vector.shape_cast %get3A_77 : vector<1x8x1024xf32> to vector<8x1024xf32>
    %max3A_79 = arith.maximumf %max3A_73, %get3A_78 : vector<8x1024xf32>
    %get3A_80 = arith.constant 0 : index
    %get3A_81 = arith.constant 104 : index
    %get3A_82 = arith.constant 0 : index
    %get3A_83 = vector.load %arg2[%get3A_80, %get3A_81, %get3A_82] : memref<1x512x1024xf32, #tpu.memory_space<vmem>>, vector<1x8x1024xf32>
    %get3A_84 = vector.shape_cast %get3A_83 : vector<1x8x1024xf32> to vector<8x1024xf32>
    %max3A_85 = arith.maximumf %max3A_79, %get3A_84 : vector<8x1024xf32>
    %get3A_86 = arith.constant 0 : index
    %get3A_87 = arith.constant 112 : index
    %get3A_88 = arith.constant 0 : index
    %get3A_89 = vector.load %arg2[%get3A_86, %get3A_87, %get3A_88] : memref<1x512x1024xf32, #tpu.memory_space<vmem>>, vector<1x8x1024xf32>
    %get3A_90 = vector.shape_cast %get3A_89 : vector<1x8x1024xf32> to vector<8x1024xf32>
    %max3A_91 = arith.maximumf %max3A_85, %get3A_90 : vector<8x1024xf32>
    %get3A_92 = arith.constant 0 : index
    %get3A_93 = arith.constant 120 : index
    %get3A_94 = arith.constant 0 : index
    %get3A_95 = vector.load %arg2[%get3A_92, %get3A_93, %get3A_94] : memref<1x512x1024xf32, #tpu.memory_space<vmem>>, vector<1x8x1024xf32>
    %get3A_96 = vector.shape_cast %get3A_95 : vector<1x8x1024xf32> to vector<8x1024xf32>
    %max3A_97 = arith.maximumf %max3A_91, %get3A_96 : vector<8x1024xf32>
    %get3A_98 = arith.constant 0 : index
    %get3A_99 = arith.constant 128 : index
    %get3A_100 = arith.constant 0 : index
    %get3A_101 = vector.load %arg2[%get3A_98, %get3A_99, %get3A_100] : memref<1x512x1024xf32, #tpu.memory_space<vmem>>, vector<1x8x1024xf32>
    %get3A_102 = vector.shape_cast %get3A_101 : vector<1x8x1024xf32> to vector<8x1024xf32>
    %max3A_103 = arith.maximumf %max3A_97, %get3A_102 : vector<8x1024xf32>
    %get3A_104 = arith.constant 0 : index
    %get3A_105 = arith.constant 136 : index
    %get3A_106 = arith.constant 0 : index
    %get3A_107 = vector.load %arg2[%get3A_104, %get3A_105, %get3A_106] : memref<1x512x1024xf32, #tpu.memory_space<vmem>>, vector<1x8x1024xf32>
    %get3A_108 = vector.shape_cast %get3A_107 : vector<1x8x1024xf32> to vector<8x1024xf32>
    %max3A_109 = arith.maximumf %max3A_103, %get3A_108 : vector<8x1024xf32>
    %get3A_110 = arith.constant 0 : index
    %get3A_111 = arith.constant 144 : index
    %get3A_112 = arith.constant 0 : index
    %get3A_113 = vector.load %arg2[%get3A_110, %get3A_111, %get3A_112] : memref<1x512x1024xf32, #tpu.memory_space<vmem>>, vector<1x8x1024xf32>
    %get3A_114 = vector.shape_cast %get3A_113 : vector<1x8x1024xf32> to vector<8x1024xf32>
    %max3A_115 = arith.maximumf %max3A_109, %get3A_114 : vector<8x1024xf32>
    %get3A_116 = arith.constant 0 : index
    %get3A_117 = arith.constant 152 : index
    %get3A_118 = arith.constant 0 : index
    %get3A_119 = vector.load %arg2[%get3A_116, %get3A_117, %get3A_118] : memref<1x512x1024xf32, #tpu.memory_space<vmem>>, vector<1x8x1024xf32>
    %get3A_120 = vector.shape_cast %get3A_119 : vector<1x8x1024xf32> to vector<8x1024xf32>
    %max3A_121 = arith.maximumf %max3A_115, %get3A_120 : vector<8x1024xf32>
    %get3A_122 = arith.constant 0 : index
    %get3A_123 = arith.constant 160 : index
    %get3A_124 = arith.constant 0 : index
    %get3A_125 = vector.load %arg2[%get3A_122, %get3A_123, %get3A_124] : memref<1x512x1024xf32, #tpu.memory_space<vmem>>, vector<1x8x1024xf32>
    %get3A_126 = vector.shape_cast %get3A_125 : vector<1x8x1024xf32> to vector<8x1024xf32>
    %max3A_127 = arith.maximumf %max3A_121, %get3A_126 : vector<8x1024xf32>
    %get3A_128 = arith.constant 0 : index
    %get3A_129 = arith.constant 168 : index
    %get3A_130 = arith.constant 0 : index
    %get3A_131 = vector.load %arg2[%get3A_128, %get3A_129, %get3A_130] : memref<1x512x1024xf32, #tpu.memory_space<vmem>>, vector<1x8x1024xf32>
    %get3A_132 = vector.shape_cast %get3A_131 : vector<1x8x1024xf32> to vector<8x1024xf32>
    %max3A_133 = arith.maximumf %max3A_127, %get3A_132 : vector<8x1024xf32>
    %get3A_134 = arith.constant 0 : index
    %get3A_135 = arith.constant 176 : index
    %get3A_136 = arith.constant 0 : index
    %get3A_137 = vector.load %arg2[%get3A_134, %get3A_135, %get3A_136] : memref<1x512x1024xf32, #tpu.memory_space<vmem>>, vector<1x8x1024xf32>
    %get3A_138 = vector.shape_cast %get3A_137 : vector<1x8x1024xf32> to vector<8x1024xf32>
    %max3A_139 = arith.maximumf %max3A_133, %get3A_138 : vector<8x1024xf32>
    %get3A_140 = arith.constant 0 : index
    %get3A_141 = arith.constant 184 : index
    %get3A_142 = arith.constant 0 : index
    %get3A_143 = vector.load %arg2[%get3A_140, %get3A_141, %get3A_142] : memref<1x512x1024xf32, #tpu.memory_space<vmem>>, vector<1x8x1024xf32>
    %get3A_144 = vector.shape_cast %get3A_143 : vector<1x8x1024xf32> to vector<8x1024xf32>
    %max3A_145 = arith.maximumf %max3A_139, %get3A_144 : vector<8x1024xf32>
    %get3A_146 = arith.constant 0 : index
    %get3A_147 = arith.constant 192 : index
    %get3A_148 = arith.constant 0 : index
    %get3A_149 = vector.load %arg2[%get3A_146, %get3A_147, %get3A_148] : memref<1x512x1024xf32, #tpu.memory_space<vmem>>, vector<1x8x1024xf32>
    %get3A_150 = vector.shape_cast %get3A_149 : vector<1x8x1024xf32> to vector<8x1024xf32>
    %max3A_151 = arith.maximumf %max3A_145, %get3A_150 : vector<8x1024xf32>
    %get3A_152 = arith.constant 0 : index
    %get3A_153 = arith.constant 200 : index
    %get3A_154 = arith.constant 0 : index
    %get3A_155 = vector.load %arg2[%get3A_152, %get3A_153, %get3A_154] : memref<1x512x1024xf32, #tpu.memory_space<vmem>>, vector<1x8x1024xf32>
    %get3A_156 = vector.shape_cast %get3A_155 : vector<1x8x1024xf32> to vector<8x1024xf32>
    %max3A_157 = arith.maximumf %max3A_151, %get3A_156 : vector<8x1024xf32>
    %get3A_158 = arith.constant 0 : index
    %get3A_159 = arith.constant 208 : index
    %get3A_160 = arith.constant 0 : index
    %get3A_161 = vector.load %arg2[%get3A_158, %get3A_159, %get3A_160] : memref<1x512x1024xf32, #tpu.memory_space<vmem>>, vector<1x8x1024xf32>
    %get3A_162 = vector.shape_cast %get3A_161 : vector<1x8x1024xf32> to vector<8x1024xf32>
    %max3A_163 = arith.maximumf %max3A_157, %get3A_162 : vector<8x1024xf32>
    %get3A_164 = arith.constant 0 : index
    %get3A_165 = arith.constant 216 : index
    %get3A_166 = arith.constant 0 : index
    %get3A_167 = vector.load %arg2[%get3A_164, %get3A_165, %get3A_166] : memref<1x512x1024xf32, #tpu.memory_space<vmem>>, vector<1x8x1024xf32>
    %get3A_168 = vector.shape_cast %get3A_167 : vector<1x8x1024xf32> to vector<8x1024xf32>
    %max3A_169 = arith.maximumf %max3A_163, %get3A_168 : vector<8x1024xf32>
    %get3A_170 = arith.constant 0 : index
    %get3A_171 = arith.constant 224 : index
    %get3A_172 = arith.constant 0 : index
    %get3A_173 = vector.load %arg2[%get3A_170, %get3A_171, %get3A_172] : memref<1x512x1024xf32, #tpu.memory_space<vmem>>, vector<1x8x1024xf32>
    %get3A_174 = vector.shape_cast %get3A_173 : vector<1x8x1024xf32> to vector<8x1024xf32>
    %max3A_175 = arith.maximumf %max3A_169, %get3A_174 : vector<8x1024xf32>
    %get3A_176 = arith.constant 0 : index
    %get3A_177 = arith.constant 232 : index
    %get3A_178 = arith.constant 0 : index
    %get3A_179 = vector.load %arg2[%get3A_176, %get3A_177, %get3A_178] : memref<1x512x1024xf32, #tpu.memory_space<vmem>>, vector<1x8x1024xf32>
    %get3A_180 = vector.shape_cast %get3A_179 : vector<1x8x1024xf32> to vector<8x1024xf32>
    %max3A_181 = arith.maximumf %max3A_175, %get3A_180 : vector<8x1024xf32>
    %get3A_182 = arith.constant 0 : index
    %get3A_183 = arith.constant 240 : index
    %get3A_184 = arith.constant 0 : index
    %get3A_185 = vector.load %arg2[%get3A_182, %get3A_183, %get3A_184] : memref<1x512x1024xf32, #tpu.memory_space<vmem>>, vector<1x8x1024xf32>
    %get3A_186 = vector.shape_cast %get3A_185 : vector<1x8x1024xf32> to vector<8x1024xf32>
    %max3A_187 = arith.maximumf %max3A_181, %get3A_186 : vector<8x1024xf32>
    %get3A_188 = arith.constant 0 : index
    %get3A_189 = arith.constant 248 : index
    %get3A_190 = arith.constant 0 : index
    %get3A_191 = vector.load %arg2[%get3A_188, %get3A_189, %get3A_190] : memref<1x512x1024xf32, #tpu.memory_space<vmem>>, vector<1x8x1024xf32>
    %get3A_192 = vector.shape_cast %get3A_191 : vector<1x8x1024xf32> to vector<8x1024xf32>
    %max3A_193 = arith.maximumf %max3A_187, %get3A_192 : vector<8x1024xf32>
    %get3A_194 = arith.constant 0 : index
    %get3A_195 = arith.constant 256 : index
    %get3A_196 = arith.constant 0 : index
    %get3A_197 = vector.load %arg2[%get3A_194, %get3A_195, %get3A_196] : memref<1x512x1024xf32, #tpu.memory_space<vmem>>, vector<1x8x1024xf32>
    %get3A_198 = vector.shape_cast %get3A_197 : vector<1x8x1024xf32> to vector<8x1024xf32>
    %max3A_199 = arith.maximumf %max3A_193, %get3A_198 : vector<8x1024xf32>
    %get3A_200 = arith.constant 0 : index
    %get3A_201 = arith.constant 264 : index
    %get3A_202 = arith.constant 0 : index
    %get3A_203 = vector.load %arg2[%get3A_200, %get3A_201, %get3A_202] : memref<1x512x1024xf32, #tpu.memory_space<vmem>>, vector<1x8x1024xf32>
    %get3A_204 = vector.shape_cast %get3A_203 : vector<1x8x1024xf32> to vector<8x1024xf32>
    %max3A_205 = arith.maximumf %max3A_199, %get3A_204 : vector<8x1024xf32>
    %get3A_206 = arith.constant 0 : index
    %get3A_207 = arith.constant 272 : index
    %get3A_208 = arith.constant 0 : index
    %get3A_209 = vector.load %arg2[%get3A_206, %get3A_207, %get3A_208] : memref<1x512x1024xf32, #tpu.memory_space<vmem>>, vector<1x8x1024xf32>
    %get3A_210 = vector.shape_cast %get3A_209 : vector<1x8x1024xf32> to vector<8x1024xf32>
    %max3A_211 = arith.maximumf %max3A_205, %get3A_210 : vector<8x1024xf32>
    %get3A_212 = arith.constant 0 : index
    %get3A_213 = arith.constant 280 : index
    %get3A_214 = arith.constant 0 : index
    %get3A_215 = vector.load %arg2[%get3A_212, %get3A_213, %get3A_214] : memref<1x512x1024xf32, #tpu.memory_space<vmem>>, vector<1x8x1024xf32>
    %get3A_216 = vector.shape_cast %get3A_215 : vector<1x8x1024xf32> to vector<8x1024xf32>
    %max3A_217 = arith.maximumf %max3A_211, %get3A_216 : vector<8x1024xf32>
    %get3A_218 = arith.constant 0 : index
    %get3A_219 = arith.constant 288 : index
    %get3A_220 = arith.constant 0 : index
    %get3A_221 = vector.load %arg2[%get3A_218, %get3A_219, %get3A_220] : memref<1x512x1024xf32, #tpu.memory_space<vmem>>, vector<1x8x1024xf32>
    %get3A_222 = vector.shape_cast %get3A_221 : vector<1x8x1024xf32> to vector<8x1024xf32>
    %max3A_223 = arith.maximumf %max3A_217, %get3A_222 : vector<8x1024xf32>
    %get3A_224 = arith.constant 0 : index
    %get3A_225 = arith.constant 296 : index
    %get3A_226 = arith.constant 0 : index
    %get3A_227 = vector.load %arg2[%get3A_224, %get3A_225, %get3A_226] : memref<1x512x1024xf32, #tpu.memory_space<vmem>>, vector<1x8x1024xf32>
    %get3A_228 = vector.shape_cast %get3A_227 : vector<1x8x1024xf32> to vector<8x1024xf32>
    %max3A_229 = arith.maximumf %max3A_223, %get3A_228 : vector<8x1024xf32>
    %get3A_230 = arith.constant 0 : index
    %get3A_231 = arith.constant 304 : index
    %get3A_232 = arith.constant 0 : index
    %get3A_233 = vector.load %arg2[%get3A_230, %get3A_231, %get3A_232] : memref<1x512x1024xf32, #tpu.memory_space<vmem>>, vector<1x8x1024xf32>
    %get3A_234 = vector.shape_cast %get3A_233 : vector<1x8x1024xf32> to vector<8x1024xf32>
    %max3A_235 = arith.maximumf %max3A_229, %get3A_234 : vector<8x1024xf32>
    %get3A_236 = arith.constant 0 : index
    %get3A_237 = arith.constant 312 : index
    %get3A_238 = arith.constant 0 : index
    %get3A_239 = vector.load %arg2[%get3A_236, %get3A_237, %get3A_238] : memref<1x512x1024xf32, #tpu.memory_space<vmem>>, vector<1x8x1024xf32>
    %get3A_240 = vector.shape_cast %get3A_239 : vector<1x8x1024xf32> to vector<8x1024xf32>
    %max3A_241 = arith.maximumf %max3A_235, %get3A_240 : vector<8x1024xf32>
    %get3A_242 = arith.constant 0 : index
    %get3A_243 = arith.constant 320 : index
    %get3A_244 = arith.constant 0 : index
    %get3A_245 = vector.load %arg2[%get3A_242, %get3A_243, %get3A_244] : memref<1x512x1024xf32, #tpu.memory_space<vmem>>, vector<1x8x1024xf32>
    %get3A_246 = vector.shape_cast %get3A_245 : vector<1x8x1024xf32> to vector<8x1024xf32>
    %max3A_247 = arith.maximumf %max3A_241, %get3A_246 : vector<8x1024xf32>
    %get3A_248 = arith.constant 0 : index
    %get3A_249 = arith.constant 328 : index
    %get3A_250 = arith.constant 0 : index
    %get3A_251 = vector.load %arg2[%get3A_248, %get3A_249, %get3A_250] : memref<1x512x1024xf32, #tpu.memory_space<vmem>>, vector<1x8x1024xf32>
    %get3A_252 = vector.shape_cast %get3A_251 : vector<1x8x1024xf32> to vector<8x1024xf32>
    %max3A_253 = arith.maximumf %max3A_247, %get3A_252 : vector<8x1024xf32>
    %get3A_254 = arith.constant 0 : index
    %get3A_255 = arith.constant 336 : index
    %get3A_256 = arith.constant 0 : index
    %get3A_257 = vector.load %arg2[%get3A_254, %get3A_255, %get3A_256] : memref<1x512x1024xf32, #tpu.memory_space<vmem>>, vector<1x8x1024xf32>
    %get3A_258 = vector.shape_cast %get3A_257 : vector<1x8x1024xf32> to vector<8x1024xf32>
    %max3A_259 = arith.maximumf %max3A_253, %get3A_258 : vector<8x1024xf32>
    %get3A_260 = arith.constant 0 : index
    %get3A_261 = arith.constant 344 : index
    %get3A_262 = arith.constant 0 : index
    %get3A_263 = vector.load %arg2[%get3A_260, %get3A_261, %get3A_262] : memref<1x512x1024xf32, #tpu.memory_space<vmem>>, vector<1x8x1024xf32>
    %get3A_264 = vector.shape_cast %get3A_263 : vector<1x8x1024xf32> to vector<8x1024xf32>
    %max3A_265 = arith.maximumf %max3A_259, %get3A_264 : vector<8x1024xf32>
    %get3A_266 = arith.constant 0 : index
    %get3A_267 = arith.constant 352 : index
    %get3A_268 = arith.constant 0 : index
    %get3A_269 = vector.load %arg2[%get3A_266, %get3A_267, %get3A_268] : memref<1x512x1024xf32, #tpu.memory_space<vmem>>, vector<1x8x1024xf32>
    %get3A_270 = vector.shape_cast %get3A_269 : vector<1x8x1024xf32> to vector<8x1024xf32>
    %max3A_271 = arith.maximumf %max3A_265, %get3A_270 : vector<8x1024xf32>
    %get3A_272 = arith.constant 0 : index
    %get3A_273 = arith.constant 360 : index
    %get3A_274 = arith.constant 0 : index
    %get3A_275 = vector.load %arg2[%get3A_272, %get3A_273, %get3A_274] : memref<1x512x1024xf32, #tpu.memory_space<vmem>>, vector<1x8x1024xf32>
    %get3A_276 = vector.shape_cast %get3A_275 : vector<1x8x1024xf32> to vector<8x1024xf32>
    %max3A_277 = arith.maximumf %max3A_271, %get3A_276 : vector<8x1024xf32>
    %get3A_278 = arith.constant 0 : index
    %get3A_279 = arith.constant 368 : index
    %get3A_280 = arith.constant 0 : index
    %get3A_281 = vector.load %arg2[%get3A_278, %get3A_279, %get3A_280] : memref<1x512x1024xf32, #tpu.memory_space<vmem>>, vector<1x8x1024xf32>
    %get3A_282 = vector.shape_cast %get3A_281 : vector<1x8x1024xf32> to vector<8x1024xf32>
    %max3A_283 = arith.maximumf %max3A_277, %get3A_282 : vector<8x1024xf32>
    %get3A_284 = arith.constant 0 : index
    %get3A_285 = arith.constant 376 : index
    %get3A_286 = arith.constant 0 : index
    %get3A_287 = vector.load %arg2[%get3A_284, %get3A_285, %get3A_286] : memref<1x512x1024xf32, #tpu.memory_space<vmem>>, vector<1x8x1024xf32>
    %get3A_288 = vector.shape_cast %get3A_287 : vector<1x8x1024xf32> to vector<8x1024xf32>
    %max3A_289 = arith.maximumf %max3A_283, %get3A_288 : vector<8x1024xf32>
    %get3A_290 = arith.constant 0 : index
    %get3A_291 = arith.constant 384 : index
    %get3A_292 = arith.constant 0 : index
    %get3A_293 = vector.load %arg2[%get3A_290, %get3A_291, %get3A_292] : memref<1x512x1024xf32, #tpu.memory_space<vmem>>, vector<1x8x1024xf32>
    %get3A_294 = vector.shape_cast %get3A_293 : vector<1x8x1024xf32> to vector<8x1024xf32>
    %max3A_295 = arith.maximumf %max3A_289, %get3A_294 : vector<8x1024xf32>
    %get3A_296 = arith.constant 0 : index
    %get3A_297 = arith.constant 392 : index
    %get3A_298 = arith.constant 0 : index
    %get3A_299 = vector.load %arg2[%get3A_296, %get3A_297, %get3A_298] : memref<1x512x1024xf32, #tpu.memory_space<vmem>>, vector<1x8x1024xf32>
    %get3A_300 = vector.shape_cast %get3A_299 : vector<1x8x1024xf32> to vector<8x1024xf32>
    %max3A_301 = arith.maximumf %max3A_295, %get3A_300 : vector<8x1024xf32>
    %get3A_302 = arith.constant 0 : index
    %get3A_303 = arith.constant 400 : index
    %get3A_304 = arith.constant 0 : index
    %get3A_305 = vector.load %arg2[%get3A_302, %get3A_303, %get3A_304] : memref<1x512x1024xf32, #tpu.memory_space<vmem>>, vector<1x8x1024xf32>
    %get3A_306 = vector.shape_cast %get3A_305 : vector<1x8x1024xf32> to vector<8x1024xf32>
    %max3A_307 = arith.maximumf %max3A_301, %get3A_306 : vector<8x1024xf32>
    %get3A_308 = arith.constant 0 : index
    %get3A_309 = arith.constant 408 : index
    %get3A_310 = arith.constant 0 : index
    %get3A_311 = vector.load %arg2[%get3A_308, %get3A_309, %get3A_310] : memref<1x512x1024xf32, #tpu.memory_space<vmem>>, vector<1x8x1024xf32>
    %get3A_312 = vector.shape_cast %get3A_311 : vector<1x8x1024xf32> to vector<8x1024xf32>
    %max3A_313 = arith.maximumf %max3A_307, %get3A_312 : vector<8x1024xf32>
    %get3A_314 = arith.constant 0 : index
    %get3A_315 = arith.constant 416 : index
    %get3A_316 = arith.constant 0 : index
    %get3A_317 = vector.load %arg2[%get3A_314, %get3A_315, %get3A_316] : memref<1x512x1024xf32, #tpu.memory_space<vmem>>, vector<1x8x1024xf32>
    %get3A_318 = vector.shape_cast %get3A_317 : vector<1x8x1024xf32> to vector<8x1024xf32>
    %max3A_319 = arith.maximumf %max3A_313, %get3A_318 : vector<8x1024xf32>
    %get3A_320 = arith.constant 0 : index
    %get3A_321 = arith.constant 424 : index
    %get3A_322 = arith.constant 0 : index
    %get3A_323 = vector.load %arg2[%get3A_320, %get3A_321, %get3A_322] : memref<1x512x1024xf32, #tpu.memory_space<vmem>>, vector<1x8x1024xf32>
    %get3A_324 = vector.shape_cast %get3A_323 : vector<1x8x1024xf32> to vector<8x1024xf32>
    %max3A_325 = arith.maximumf %max3A_319, %get3A_324 : vector<8x1024xf32>
    %get3A_326 = arith.constant 0 : index
    %get3A_327 = arith.constant 432 : index
    %get3A_328 = arith.constant 0 : index
    %get3A_329 = vector.load %arg2[%get3A_326, %get3A_327, %get3A_328] : memref<1x512x1024xf32, #tpu.memory_space<vmem>>, vector<1x8x1024xf32>
    %get3A_330 = vector.shape_cast %get3A_329 : vector<1x8x1024xf32> to vector<8x1024xf32>
    %max3A_331 = arith.maximumf %max3A_325, %get3A_330 : vector<8x1024xf32>
    %get3A_332 = arith.constant 0 : index
    %get3A_333 = arith.constant 440 : index
    %get3A_334 = arith.constant 0 : index
    %get3A_335 = vector.load %arg2[%get3A_332, %get3A_333, %get3A_334] : memref<1x512x1024xf32, #tpu.memory_space<vmem>>, vector<1x8x1024xf32>
    %get3A_336 = vector.shape_cast %get3A_335 : vector<1x8x1024xf32> to vector<8x1024xf32>
    %max3A_337 = arith.maximumf %max3A_331, %get3A_336 : vector<8x1024xf32>
    %get3A_338 = arith.constant 0 : index
    %get3A_339 = arith.constant 448 : index
    %get3A_340 = arith.constant 0 : index
    %get3A_341 = vector.load %arg2[%get3A_338, %get3A_339, %get3A_340] : memref<1x512x1024xf32, #tpu.memory_space<vmem>>, vector<1x8x1024xf32>
    %get3A_342 = vector.shape_cast %get3A_341 : vector<1x8x1024xf32> to vector<8x1024xf32>
    %max3A_343 = arith.maximumf %max3A_337, %get3A_342 : vector<8x1024xf32>
    %get3A_344 = arith.constant 0 : index
    %get3A_345 = arith.constant 456 : index
    %get3A_346 = arith.constant 0 : index
    %get3A_347 = vector.load %arg2[%get3A_344, %get3A_345, %get3A_346] : memref<1x512x1024xf32, #tpu.memory_space<vmem>>, vector<1x8x1024xf32>
    %get3A_348 = vector.shape_cast %get3A_347 : vector<1x8x1024xf32> to vector<8x1024xf32>
    %max3A_349 = arith.maximumf %max3A_343, %get3A_348 : vector<8x1024xf32>
    %get3A_350 = arith.constant 0 : index
    %get3A_351 = arith.constant 464 : index
    %get3A_352 = arith.constant 0 : index
    %get3A_353 = vector.load %arg2[%get3A_350, %get3A_351, %get3A_352] : memref<1x512x1024xf32, #tpu.memory_space<vmem>>, vector<1x8x1024xf32>
    %get3A_354 = vector.shape_cast %get3A_353 : vector<1x8x1024xf32> to vector<8x1024xf32>
    %max3A_355 = arith.maximumf %max3A_349, %get3A_354 : vector<8x1024xf32>
    %get3A_356 = arith.constant 0 : index
    %get3A_357 = arith.constant 472 : index
    %get3A_358 = arith.constant 0 : index
    %get3A_359 = vector.load %arg2[%get3A_356, %get3A_357, %get3A_358] : memref<1x512x1024xf32, #tpu.memory_space<vmem>>, vector<1x8x1024xf32>
    %get3A_360 = vector.shape_cast %get3A_359 : vector<1x8x1024xf32> to vector<8x1024xf32>
    %max3A_361 = arith.maximumf %max3A_355, %get3A_360 : vector<8x1024xf32>
    %get3A_362 = arith.constant 0 : index
    %get3A_363 = arith.constant 480 : index
    %get3A_364 = arith.constant 0 : index
    %get3A_365 = vector.load %arg2[%get3A_362, %get3A_363, %get3A_364] : memref<1x512x1024xf32, #tpu.memory_space<vmem>>, vector<1x8x1024xf32>
    %get3A_366 = vector.shape_cast %get3A_365 : vector<1x8x1024xf32> to vector<8x1024xf32>
    %max3A_367 = arith.maximumf %max3A_361, %get3A_366 : vector<8x1024xf32>
    %get3A_368 = arith.constant 0 : index
    %get3A_369 = arith.constant 488 : index
    %get3A_370 = arith.constant 0 : index
    %get3A_371 = vector.load %arg2[%get3A_368, %get3A_369, %get3A_370] : memref<1x512x1024xf32, #tpu.memory_space<vmem>>, vector<1x8x1024xf32>
    %get3A_372 = vector.shape_cast %get3A_371 : vector<1x8x1024xf32> to vector<8x1024xf32>
    %max3A_373 = arith.maximumf %max3A_367, %get3A_372 : vector<8x1024xf32>
    %get3A_374 = arith.constant 0 : index
    %get3A_375 = arith.constant 496 : index
    %get3A_376 = arith.constant 0 : index
    %get3A_377 = vector.load %arg2[%get3A_374, %get3A_375, %get3A_376] : memref<1x512x1024xf32, #tpu.memory_space<vmem>>, vector<1x8x1024xf32>
    %get3A_378 = vector.shape_cast %get3A_377 : vector<1x8x1024xf32> to vector<8x1024xf32>
    %max3A_379 = arith.maximumf %max3A_373, %get3A_378 : vector<8x1024xf32>
    %get3A_380 = arith.constant 0 : index
    %get3A_381 = arith.constant 504 : index
    %get3A_382 = arith.constant 0 : index
    %get3A_383 = vector.load %arg2[%get3A_380, %get3A_381, %get3A_382] : memref<1x512x1024xf32, #tpu.memory_space<vmem>>, vector<1x8x1024xf32>
    %get3A_384 = vector.shape_cast %get3A_383 : vector<1x8x1024xf32> to vector<8x1024xf32>
    %max3A_385 = arith.maximumf %max3A_379, %get3A_384 : vector<8x1024xf32>
    %reduce_max3A = arith.constant dense<0xFF800000> : vector<1024xf32>
    %reduce_max3A_386 = vector.multi_reduction <maximumf>, %max3A_385, %reduce_max3A [0] : vector<8x1024xf32> to vector<1024xf32>
    %broadcast_in_dim3A = vector.shape_cast %reduce_max3A_386 : vector<1024xf32> to vector<1x1024xf32>
    %broadcast_in_dim3A_387 = vector.shape_cast %broadcast_in_dim3A : vector<1x1024xf32> to vector<1x1024xf32>
    %broadcast_in_dim3A_388 = vector.broadcast %broadcast_in_dim3A_387 : vector<1x1024xf32> to vector<8x1024xf32>
    %iota3A = tpu.iota {dimensions = array<i32: 0>} : vector<8x1024xi32>
    %broadcast_in_dim3A_389 = vector.shape_cast %get3A_3 : vector<1x1024xi32> to vector<1x1024xi32>
    %broadcast_in_dim3A_390 = vector.broadcast %broadcast_in_dim3A_389 : vector<1x1024xi32> to vector<8x1024xi32>
    %sub3A = arith.subi %broadcast_in_dim3A_390, %iota3A : vector<8x1024xi32>
    %broadcast_in_dim3A_391 = arith.constant 0.000000e+00 : f32
    %broadcast_in_dim3A_392 = vector.broadcast %broadcast_in_dim3A_391 : f32 to vector<8x1024xf32>
    %broadcast_in_dim3A_393 = arith.constant 0.000000e+00 : f32
    %broadcast_in_dim3A_394 = vector.broadcast %broadcast_in_dim3A_393 : f32 to vector<8x1024xf32>
    %get3A_395 = arith.constant 0 : index
    %get3A_396 = arith.constant 0 : index
    %get3A_397 = arith.constant 0 : index
    %get3A_398 = vector.load %arg2[%get3A_395, %get3A_396, %get3A_397] : memref<1x512x1024xf32, #tpu.memory_space<vmem>>, vector<1x8x1024xf32>
    %get3A_399 = vector.shape_cast %get3A_398 : vector<1x8x1024xf32> to vector<8x1024xf32>
    %sub3A_400 = arith.subf %get3A_399, %broadcast_in_dim3A_388 : vector<8x1024xf32>
    %exp3A = math.exp %sub3A_400 : vector<8x1024xf32>
    %add3A = arith.addf %broadcast_in_dim3A_392, %exp3A : vector<8x1024xf32>
    %eq3A = arith.constant 0 : i32
    %eq3A_401 = vector.broadcast %eq3A : i32 to vector<8x1024xi32>
    %eq3A_402 = arith.cmpi eq, %sub3A, %eq3A_401 : vector<8x1024xi32>
    %jit3A = arith.constant 0.000000e+00 : f32
    %broadcast_in_dim3A_403 = vector.broadcast %jit3A : f32 to vector<8x1024xf32>
    %select_n3A = arith.select %eq3A_402, %get3A_399, %broadcast_in_dim3A_403 : vector<8x1024xi1>, vector<8x1024xf32>
    %add3A_404 = arith.addf %broadcast_in_dim3A_394, %select_n3A : vector<8x1024xf32>
    %get3A_405 = arith.constant 0 : index
    %get3A_406 = arith.constant 8 : index
    %get3A_407 = arith.constant 0 : index
    %get3A_408 = vector.load %arg2[%get3A_405, %get3A_406, %get3A_407] : memref<1x512x1024xf32, #tpu.memory_space<vmem>>, vector<1x8x1024xf32>
    %get3A_409 = vector.shape_cast %get3A_408 : vector<1x8x1024xf32> to vector<8x1024xf32>
    %sub3A_410 = arith.subf %get3A_409, %broadcast_in_dim3A_388 : vector<8x1024xf32>
    %exp3A_411 = math.exp %sub3A_410 : vector<8x1024xf32>
    %add3A_412 = arith.addf %add3A, %exp3A_411 : vector<8x1024xf32>
    %eq3A_413 = arith.constant 8 : i32
    %eq3A_414 = vector.broadcast %eq3A_413 : i32 to vector<8x1024xi32>
    %eq3A_415 = arith.cmpi eq, %sub3A, %eq3A_414 : vector<8x1024xi32>
    %jit3A_416 = arith.constant 0.000000e+00 : f32
    %broadcast_in_dim3A_417 = vector.broadcast %jit3A_416 : f32 to vector<8x1024xf32>
    %select_n3A_418 = arith.select %eq3A_415, %get3A_409, %broadcast_in_dim3A_417 : vector<8x1024xi1>, vector<8x1024xf32>
    %add3A_419 = arith.addf %add3A_404, %select_n3A_418 : vector<8x1024xf32>
    %get3A_420 = arith.constant 0 : index
    %get3A_421 = arith.constant 16 : index
    %get3A_422 = arith.constant 0 : index
    %get3A_423 = vector.load %arg2[%get3A_420, %get3A_421, %get3A_422] : memref<1x512x1024xf32, #tpu.memory_space<vmem>>, vector<1x8x1024xf32>
    %get3A_424 = vector.shape_cast %get3A_423 : vector<1x8x1024xf32> to vector<8x1024xf32>
    %sub3A_425 = arith.subf %get3A_424, %broadcast_in_dim3A_388 : vector<8x1024xf32>
    %exp3A_426 = math.exp %sub3A_425 : vector<8x1024xf32>
    %add3A_427 = arith.addf %add3A_412, %exp3A_426 : vector<8x1024xf32>
    %eq3A_428 = arith.constant 16 : i32
    %eq3A_429 = vector.broadcast %eq3A_428 : i32 to vector<8x1024xi32>
    %eq3A_430 = arith.cmpi eq, %sub3A, %eq3A_429 : vector<8x1024xi32>
    %jit3A_431 = arith.constant 0.000000e+00 : f32
    %broadcast_in_dim3A_432 = vector.broadcast %jit3A_431 : f32 to vector<8x1024xf32>
    %select_n3A_433 = arith.select %eq3A_430, %get3A_424, %broadcast_in_dim3A_432 : vector<8x1024xi1>, vector<8x1024xf32>
    %add3A_434 = arith.addf %add3A_419, %select_n3A_433 : vector<8x1024xf32>
    %get3A_435 = arith.constant 0 : index
    %get3A_436 = arith.constant 24 : index
    %get3A_437 = arith.constant 0 : index
    %get3A_438 = vector.load %arg2[%get3A_435, %get3A_436, %get3A_437] : memref<1x512x1024xf32, #tpu.memory_space<vmem>>, vector<1x8x1024xf32>
    %get3A_439 = vector.shape_cast %get3A_438 : vector<1x8x1024xf32> to vector<8x1024xf32>
    %sub3A_440 = arith.subf %get3A_439, %broadcast_in_dim3A_388 : vector<8x1024xf32>
    %exp3A_441 = math.exp %sub3A_440 : vector<8x1024xf32>
    %add3A_442 = arith.addf %add3A_427, %exp3A_441 : vector<8x1024xf32>
    %eq3A_443 = arith.constant 24 : i32
    %eq3A_444 = vector.broadcast %eq3A_443 : i32 to vector<8x1024xi32>
    %eq3A_445 = arith.cmpi eq, %sub3A, %eq3A_444 : vector<8x1024xi32>
    %jit3A_446 = arith.constant 0.000000e+00 : f32
    %broadcast_in_dim3A_447 = vector.broadcast %jit3A_446 : f32 to vector<8x1024xf32>
    %select_n3A_448 = arith.select %eq3A_445, %get3A_439, %broadcast_in_dim3A_447 : vector<8x1024xi1>, vector<8x1024xf32>
    %add3A_449 = arith.addf %add3A_434, %select_n3A_448 : vector<8x1024xf32>
    %get3A_450 = arith.constant 0 : index
    %get3A_451 = arith.constant 32 : index
    %get3A_452 = arith.constant 0 : index
    %get3A_453 = vector.load %arg2[%get3A_450, %get3A_451, %get3A_452] : memref<1x512x1024xf32, #tpu.memory_space<vmem>>, vector<1x8x1024xf32>
    %get3A_454 = vector.shape_cast %get3A_453 : vector<1x8x1024xf32> to vector<8x1024xf32>
    %sub3A_455 = arith.subf %get3A_454, %broadcast_in_dim3A_388 : vector<8x1024xf32>
    %exp3A_456 = math.exp %sub3A_455 : vector<8x1024xf32>
    %add3A_457 = arith.addf %add3A_442, %exp3A_456 : vector<8x1024xf32>
    %eq3A_458 = arith.constant 32 : i32
    %eq3A_459 = vector.broadcast %eq3A_458 : i32 to vector<8x1024xi32>
    %eq3A_460 = arith.cmpi eq, %sub3A, %eq3A_459 : vector<8x1024xi32>
    %jit3A_461 = arith.constant 0.000000e+00 : f32
    %broadcast_in_dim3A_462 = vector.broadcast %jit3A_461 : f32 to vector<8x1024xf32>
    %select_n3A_463 = arith.select %eq3A_460, %get3A_454, %broadcast_in_dim3A_462 : vector<8x1024xi1>, vector<8x1024xf32>
    %add3A_464 = arith.addf %add3A_449, %select_n3A_463 : vector<8x1024xf32>
    %get3A_465 = arith.constant 0 : index
    %get3A_466 = arith.constant 40 : index
    %get3A_467 = arith.constant 0 : index
    %get3A_468 = vector.load %arg2[%get3A_465, %get3A_466, %get3A_467] : memref<1x512x1024xf32, #tpu.memory_space<vmem>>, vector<1x8x1024xf32>
    %get3A_469 = vector.shape_cast %get3A_468 : vector<1x8x1024xf32> to vector<8x1024xf32>
    %sub3A_470 = arith.subf %get3A_469, %broadcast_in_dim3A_388 : vector<8x1024xf32>
    %exp3A_471 = math.exp %sub3A_470 : vector<8x1024xf32>
    %add3A_472 = arith.addf %add3A_457, %exp3A_471 : vector<8x1024xf32>
    %eq3A_473 = arith.constant 40 : i32
    %eq3A_474 = vector.broadcast %eq3A_473 : i32 to vector<8x1024xi32>
    %eq3A_475 = arith.cmpi eq, %sub3A, %eq3A_474 : vector<8x1024xi32>
    %jit3A_476 = arith.constant 0.000000e+00 : f32
    %broadcast_in_dim3A_477 = vector.broadcast %jit3A_476 : f32 to vector<8x1024xf32>
    %select_n3A_478 = arith.select %eq3A_475, %get3A_469, %broadcast_in_dim3A_477 : vector<8x1024xi1>, vector<8x1024xf32>
    %add3A_479 = arith.addf %add3A_464, %select_n3A_478 : vector<8x1024xf32>
    %get3A_480 = arith.constant 0 : index
    %get3A_481 = arith.constant 48 : index
    %get3A_482 = arith.constant 0 : index
    %get3A_483 = vector.load %arg2[%get3A_480, %get3A_481, %get3A_482] : memref<1x512x1024xf32, #tpu.memory_space<vmem>>, vector<1x8x1024xf32>
    %get3A_484 = vector.shape_cast %get3A_483 : vector<1x8x1024xf32> to vector<8x1024xf32>
    %sub3A_485 = arith.subf %get3A_484, %broadcast_in_dim3A_388 : vector<8x1024xf32>
    %exp3A_486 = math.exp %sub3A_485 : vector<8x1024xf32>
    %add3A_487 = arith.addf %add3A_472, %exp3A_486 : vector<8x1024xf32>
    %eq3A_488 = arith.constant 48 : i32
    %eq3A_489 = vector.broadcast %eq3A_488 : i32 to vector<8x1024xi32>
    %eq3A_490 = arith.cmpi eq, %sub3A, %eq3A_489 : vector<8x1024xi32>
    %jit3A_491 = arith.constant 0.000000e+00 : f32
    %broadcast_in_dim3A_492 = vector.broadcast %jit3A_491 : f32 to vector<8x1024xf32>
    %select_n3A_493 = arith.select %eq3A_490, %get3A_484, %broadcast_in_dim3A_492 : vector<8x1024xi1>, vector<8x1024xf32>
    %add3A_494 = arith.addf %add3A_479, %select_n3A_493 : vector<8x1024xf32>
    %get3A_495 = arith.constant 0 : index
    %get3A_496 = arith.constant 56 : index
    %get3A_497 = arith.constant 0 : index
    %get3A_498 = vector.load %arg2[%get3A_495, %get3A_496, %get3A_497] : memref<1x512x1024xf32, #tpu.memory_space<vmem>>, vector<1x8x1024xf32>
    %get3A_499 = vector.shape_cast %get3A_498 : vector<1x8x1024xf32> to vector<8x1024xf32>
    %sub3A_500 = arith.subf %get3A_499, %broadcast_in_dim3A_388 : vector<8x1024xf32>
    %exp3A_501 = math.exp %sub3A_500 : vector<8x1024xf32>
    %add3A_502 = arith.addf %add3A_487, %exp3A_501 : vector<8x1024xf32>
    %eq3A_503 = arith.constant 56 : i32
    %eq3A_504 = vector.broadcast %eq3A_503 : i32 to vector<8x1024xi32>
    %eq3A_505 = arith.cmpi eq, %sub3A, %eq3A_504 : vector<8x1024xi32>
    %jit3A_506 = arith.constant 0.000000e+00 : f32
    %broadcast_in_dim3A_507 = vector.broadcast %jit3A_506 : f32 to vector<8x1024xf32>
    %select_n3A_508 = arith.select %eq3A_505, %get3A_499, %broadcast_in_dim3A_507 : vector<8x1024xi1>, vector<8x1024xf32>
    %add3A_509 = arith.addf %add3A_494, %select_n3A_508 : vector<8x1024xf32>
    %get3A_510 = arith.constant 0 : index
    %get3A_511 = arith.constant 64 : index
    %get3A_512 = arith.constant 0 : index
    %get3A_513 = vector.load %arg2[%get3A_510, %get3A_511, %get3A_512] : memref<1x512x1024xf32, #tpu.memory_space<vmem>>, vector<1x8x1024xf32>
    %get3A_514 = vector.shape_cast %get3A_513 : vector<1x8x1024xf32> to vector<8x1024xf32>
    %sub3A_515 = arith.subf %get3A_514, %broadcast_in_dim3A_388 : vector<8x1024xf32>
    %exp3A_516 = math.exp %sub3A_515 : vector<8x1024xf32>
    %add3A_517 = arith.addf %add3A_502, %exp3A_516 : vector<8x1024xf32>
    %eq3A_518 = arith.constant 64 : i32
    %eq3A_519 = vector.broadcast %eq3A_518 : i32 to vector<8x1024xi32>
    %eq3A_520 = arith.cmpi eq, %sub3A, %eq3A_519 : vector<8x1024xi32>
    %jit3A_521 = arith.constant 0.000000e+00 : f32
    %broadcast_in_dim3A_522 = vector.broadcast %jit3A_521 : f32 to vector<8x1024xf32>
    %select_n3A_523 = arith.select %eq3A_520, %get3A_514, %broadcast_in_dim3A_522 : vector<8x1024xi1>, vector<8x1024xf32>
    %add3A_524 = arith.addf %add3A_509, %select_n3A_523 : vector<8x1024xf32>
    %get3A_525 = arith.constant 0 : index
    %get3A_526 = arith.constant 72 : index
    %get3A_527 = arith.constant 0 : index
    %get3A_528 = vector.load %arg2[%get3A_525, %get3A_526, %get3A_527] : memref<1x512x1024xf32, #tpu.memory_space<vmem>>, vector<1x8x1024xf32>
    %get3A_529 = vector.shape_cast %get3A_528 : vector<1x8x1024xf32> to vector<8x1024xf32>
    %sub3A_530 = arith.subf %get3A_529, %broadcast_in_dim3A_388 : vector<8x1024xf32>
    %exp3A_531 = math.exp %sub3A_530 : vector<8x1024xf32>
    %add3A_532 = arith.addf %add3A_517, %exp3A_531 : vector<8x1024xf32>
    %eq3A_533 = arith.constant 72 : i32
    %eq3A_534 = vector.broadcast %eq3A_533 : i32 to vector<8x1024xi32>
    %eq3A_535 = arith.cmpi eq, %sub3A, %eq3A_534 : vector<8x1024xi32>
    %jit3A_536 = arith.constant 0.000000e+00 : f32
    %broadcast_in_dim3A_537 = vector.broadcast %jit3A_536 : f32 to vector<8x1024xf32>
    %select_n3A_538 = arith.select %eq3A_535, %get3A_529, %broadcast_in_dim3A_537 : vector<8x1024xi1>, vector<8x1024xf32>
    %add3A_539 = arith.addf %add3A_524, %select_n3A_538 : vector<8x1024xf32>
    %get3A_540 = arith.constant 0 : index
    %get3A_541 = arith.constant 80 : index
    %get3A_542 = arith.constant 0 : index
    %get3A_543 = vector.load %arg2[%get3A_540, %get3A_541, %get3A_542] : memref<1x512x1024xf32, #tpu.memory_space<vmem>>, vector<1x8x1024xf32>
    %get3A_544 = vector.shape_cast %get3A_543 : vector<1x8x1024xf32> to vector<8x1024xf32>
    %sub3A_545 = arith.subf %get3A_544, %broadcast_in_dim3A_388 : vector<8x1024xf32>
    %exp3A_546 = math.exp %sub3A_545 : vector<8x1024xf32>
    %add3A_547 = arith.addf %add3A_532, %exp3A_546 : vector<8x1024xf32>
    %eq3A_548 = arith.constant 80 : i32
    %eq3A_549 = vector.broadcast %eq3A_548 : i32 to vector<8x1024xi32>
    %eq3A_550 = arith.cmpi eq, %sub3A, %eq3A_549 : vector<8x1024xi32>
    %jit3A_551 = arith.constant 0.000000e+00 : f32
    %broadcast_in_dim3A_552 = vector.broadcast %jit3A_551 : f32 to vector<8x1024xf32>
    %select_n3A_553 = arith.select %eq3A_550, %get3A_544, %broadcast_in_dim3A_552 : vector<8x1024xi1>, vector<8x1024xf32>
    %add3A_554 = arith.addf %add3A_539, %select_n3A_553 : vector<8x1024xf32>
    %get3A_555 = arith.constant 0 : index
    %get3A_556 = arith.constant 88 : index
    %get3A_557 = arith.constant 0 : index
    %get3A_558 = vector.load %arg2[%get3A_555, %get3A_556, %get3A_557] : memref<1x512x1024xf32, #tpu.memory_space<vmem>>, vector<1x8x1024xf32>
    %get3A_559 = vector.shape_cast %get3A_558 : vector<1x8x1024xf32> to vector<8x1024xf32>
    %sub3A_560 = arith.subf %get3A_559, %broadcast_in_dim3A_388 : vector<8x1024xf32>
    %exp3A_561 = math.exp %sub3A_560 : vector<8x1024xf32>
    %add3A_562 = arith.addf %add3A_547, %exp3A_561 : vector<8x1024xf32>
    %eq3A_563 = arith.constant 88 : i32
    %eq3A_564 = vector.broadcast %eq3A_563 : i32 to vector<8x1024xi32>
    %eq3A_565 = arith.cmpi eq, %sub3A, %eq3A_564 : vector<8x1024xi32>
    %jit3A_566 = arith.constant 0.000000e+00 : f32
    %broadcast_in_dim3A_567 = vector.broadcast %jit3A_566 : f32 to vector<8x1024xf32>
    %select_n3A_568 = arith.select %eq3A_565, %get3A_559, %broadcast_in_dim3A_567 : vector<8x1024xi1>, vector<8x1024xf32>
    %add3A_569 = arith.addf %add3A_554, %select_n3A_568 : vector<8x1024xf32>
    %get3A_570 = arith.constant 0 : index
    %get3A_571 = arith.constant 96 : index
    %get3A_572 = arith.constant 0 : index
    %get3A_573 = vector.load %arg2[%get3A_570, %get3A_571, %get3A_572] : memref<1x512x1024xf32, #tpu.memory_space<vmem>>, vector<1x8x1024xf32>
    %get3A_574 = vector.shape_cast %get3A_573 : vector<1x8x1024xf32> to vector<8x1024xf32>
    %sub3A_575 = arith.subf %get3A_574, %broadcast_in_dim3A_388 : vector<8x1024xf32>
    %exp3A_576 = math.exp %sub3A_575 : vector<8x1024xf32>
    %add3A_577 = arith.addf %add3A_562, %exp3A_576 : vector<8x1024xf32>
    %eq3A_578 = arith.constant 96 : i32
    %eq3A_579 = vector.broadcast %eq3A_578 : i32 to vector<8x1024xi32>
    %eq3A_580 = arith.cmpi eq, %sub3A, %eq3A_579 : vector<8x1024xi32>
    %jit3A_581 = arith.constant 0.000000e+00 : f32
    %broadcast_in_dim3A_582 = vector.broadcast %jit3A_581 : f32 to vector<8x1024xf32>
    %select_n3A_583 = arith.select %eq3A_580, %get3A_574, %broadcast_in_dim3A_582 : vector<8x1024xi1>, vector<8x1024xf32>
    %add3A_584 = arith.addf %add3A_569, %select_n3A_583 : vector<8x1024xf32>
    %get3A_585 = arith.constant 0 : index
    %get3A_586 = arith.constant 104 : index
    %get3A_587 = arith.constant 0 : index
    %get3A_588 = vector.load %arg2[%get3A_585, %get3A_586, %get3A_587] : memref<1x512x1024xf32, #tpu.memory_space<vmem>>, vector<1x8x1024xf32>
    %get3A_589 = vector.shape_cast %get3A_588 : vector<1x8x1024xf32> to vector<8x1024xf32>
    %sub3A_590 = arith.subf %get3A_589, %broadcast_in_dim3A_388 : vector<8x1024xf32>
    %exp3A_591 = math.exp %sub3A_590 : vector<8x1024xf32>
    %add3A_592 = arith.addf %add3A_577, %exp3A_591 : vector<8x1024xf32>
    %eq3A_593 = arith.constant 104 : i32
    %eq3A_594 = vector.broadcast %eq3A_593 : i32 to vector<8x1024xi32>
    %eq3A_595 = arith.cmpi eq, %sub3A, %eq3A_594 : vector<8x1024xi32>
    %jit3A_596 = arith.constant 0.000000e+00 : f32
    %broadcast_in_dim3A_597 = vector.broadcast %jit3A_596 : f32 to vector<8x1024xf32>
    %select_n3A_598 = arith.select %eq3A_595, %get3A_589, %broadcast_in_dim3A_597 : vector<8x1024xi1>, vector<8x1024xf32>
    %add3A_599 = arith.addf %add3A_584, %select_n3A_598 : vector<8x1024xf32>
    %get3A_600 = arith.constant 0 : index
    %get3A_601 = arith.constant 112 : index
    %get3A_602 = arith.constant 0 : index
    %get3A_603 = vector.load %arg2[%get3A_600, %get3A_601, %get3A_602] : memref<1x512x1024xf32, #tpu.memory_space<vmem>>, vector<1x8x1024xf32>
    %get3A_604 = vector.shape_cast %get3A_603 : vector<1x8x1024xf32> to vector<8x1024xf32>
    %sub3A_605 = arith.subf %get3A_604, %broadcast_in_dim3A_388 : vector<8x1024xf32>
    %exp3A_606 = math.exp %sub3A_605 : vector<8x1024xf32>
    %add3A_607 = arith.addf %add3A_592, %exp3A_606 : vector<8x1024xf32>
    %eq3A_608 = arith.constant 112 : i32
    %eq3A_609 = vector.broadcast %eq3A_608 : i32 to vector<8x1024xi32>
    %eq3A_610 = arith.cmpi eq, %sub3A, %eq3A_609 : vector<8x1024xi32>
    %jit3A_611 = arith.constant 0.000000e+00 : f32
    %broadcast_in_dim3A_612 = vector.broadcast %jit3A_611 : f32 to vector<8x1024xf32>
    %select_n3A_613 = arith.select %eq3A_610, %get3A_604, %broadcast_in_dim3A_612 : vector<8x1024xi1>, vector<8x1024xf32>
    %add3A_614 = arith.addf %add3A_599, %select_n3A_613 : vector<8x1024xf32>
    %get3A_615 = arith.constant 0 : index
    %get3A_616 = arith.constant 120 : index
    %get3A_617 = arith.constant 0 : index
    %get3A_618 = vector.load %arg2[%get3A_615, %get3A_616, %get3A_617] : memref<1x512x1024xf32, #tpu.memory_space<vmem>>, vector<1x8x1024xf32>
    %get3A_619 = vector.shape_cast %get3A_618 : vector<1x8x1024xf32> to vector<8x1024xf32>
    %sub3A_620 = arith.subf %get3A_619, %broadcast_in_dim3A_388 : vector<8x1024xf32>
    %exp3A_621 = math.exp %sub3A_620 : vector<8x1024xf32>
    %add3A_622 = arith.addf %add3A_607, %exp3A_621 : vector<8x1024xf32>
    %eq3A_623 = arith.constant 120 : i32
    %eq3A_624 = vector.broadcast %eq3A_623 : i32 to vector<8x1024xi32>
    %eq3A_625 = arith.cmpi eq, %sub3A, %eq3A_624 : vector<8x1024xi32>
    %jit3A_626 = arith.constant 0.000000e+00 : f32
    %broadcast_in_dim3A_627 = vector.broadcast %jit3A_626 : f32 to vector<8x1024xf32>
    %select_n3A_628 = arith.select %eq3A_625, %get3A_619, %broadcast_in_dim3A_627 : vector<8x1024xi1>, vector<8x1024xf32>
    %add3A_629 = arith.addf %add3A_614, %select_n3A_628 : vector<8x1024xf32>
    %get3A_630 = arith.constant 0 : index
    %get3A_631 = arith.constant 128 : index
    %get3A_632 = arith.constant 0 : index
    %get3A_633 = vector.load %arg2[%get3A_630, %get3A_631, %get3A_632] : memref<1x512x1024xf32, #tpu.memory_space<vmem>>, vector<1x8x1024xf32>
    %get3A_634 = vector.shape_cast %get3A_633 : vector<1x8x1024xf32> to vector<8x1024xf32>
    %sub3A_635 = arith.subf %get3A_634, %broadcast_in_dim3A_388 : vector<8x1024xf32>
    %exp3A_636 = math.exp %sub3A_635 : vector<8x1024xf32>
    %add3A_637 = arith.addf %add3A_622, %exp3A_636 : vector<8x1024xf32>
    %eq3A_638 = arith.constant 128 : i32
    %eq3A_639 = vector.broadcast %eq3A_638 : i32 to vector<8x1024xi32>
    %eq3A_640 = arith.cmpi eq, %sub3A, %eq3A_639 : vector<8x1024xi32>
    %jit3A_641 = arith.constant 0.000000e+00 : f32
    %broadcast_in_dim3A_642 = vector.broadcast %jit3A_641 : f32 to vector<8x1024xf32>
    %select_n3A_643 = arith.select %eq3A_640, %get3A_634, %broadcast_in_dim3A_642 : vector<8x1024xi1>, vector<8x1024xf32>
    %add3A_644 = arith.addf %add3A_629, %select_n3A_643 : vector<8x1024xf32>
    %get3A_645 = arith.constant 0 : index
    %get3A_646 = arith.constant 136 : index
    %get3A_647 = arith.constant 0 : index
    %get3A_648 = vector.load %arg2[%get3A_645, %get3A_646, %get3A_647] : memref<1x512x1024xf32, #tpu.memory_space<vmem>>, vector<1x8x1024xf32>
    %get3A_649 = vector.shape_cast %get3A_648 : vector<1x8x1024xf32> to vector<8x1024xf32>
    %sub3A_650 = arith.subf %get3A_649, %broadcast_in_dim3A_388 : vector<8x1024xf32>
    %exp3A_651 = math.exp %sub3A_650 : vector<8x1024xf32>
    %add3A_652 = arith.addf %add3A_637, %exp3A_651 : vector<8x1024xf32>
    %eq3A_653 = arith.constant 136 : i32
    %eq3A_654 = vector.broadcast %eq3A_653 : i32 to vector<8x1024xi32>
    %eq3A_655 = arith.cmpi eq, %sub3A, %eq3A_654 : vector<8x1024xi32>
    %jit3A_656 = arith.constant 0.000000e+00 : f32
    %broadcast_in_dim3A_657 = vector.broadcast %jit3A_656 : f32 to vector<8x1024xf32>
    %select_n3A_658 = arith.select %eq3A_655, %get3A_649, %broadcast_in_dim3A_657 : vector<8x1024xi1>, vector<8x1024xf32>
    %add3A_659 = arith.addf %add3A_644, %select_n3A_658 : vector<8x1024xf32>
    %get3A_660 = arith.constant 0 : index
    %get3A_661 = arith.constant 144 : index
    %get3A_662 = arith.constant 0 : index
    %get3A_663 = vector.load %arg2[%get3A_660, %get3A_661, %get3A_662] : memref<1x512x1024xf32, #tpu.memory_space<vmem>>, vector<1x8x1024xf32>
    %get3A_664 = vector.shape_cast %get3A_663 : vector<1x8x1024xf32> to vector<8x1024xf32>
    %sub3A_665 = arith.subf %get3A_664, %broadcast_in_dim3A_388 : vector<8x1024xf32>
    %exp3A_666 = math.exp %sub3A_665 : vector<8x1024xf32>
    %add3A_667 = arith.addf %add3A_652, %exp3A_666 : vector<8x1024xf32>
    %eq3A_668 = arith.constant 144 : i32
    %eq3A_669 = vector.broadcast %eq3A_668 : i32 to vector<8x1024xi32>
    %eq3A_670 = arith.cmpi eq, %sub3A, %eq3A_669 : vector<8x1024xi32>
    %jit3A_671 = arith.constant 0.000000e+00 : f32
    %broadcast_in_dim3A_672 = vector.broadcast %jit3A_671 : f32 to vector<8x1024xf32>
    %select_n3A_673 = arith.select %eq3A_670, %get3A_664, %broadcast_in_dim3A_672 : vector<8x1024xi1>, vector<8x1024xf32>
    %add3A_674 = arith.addf %add3A_659, %select_n3A_673 : vector<8x1024xf32>
    %get3A_675 = arith.constant 0 : index
    %get3A_676 = arith.constant 152 : index
    %get3A_677 = arith.constant 0 : index
    %get3A_678 = vector.load %arg2[%get3A_675, %get3A_676, %get3A_677] : memref<1x512x1024xf32, #tpu.memory_space<vmem>>, vector<1x8x1024xf32>
    %get3A_679 = vector.shape_cast %get3A_678 : vector<1x8x1024xf32> to vector<8x1024xf32>
    %sub3A_680 = arith.subf %get3A_679, %broadcast_in_dim3A_388 : vector<8x1024xf32>
    %exp3A_681 = math.exp %sub3A_680 : vector<8x1024xf32>
    %add3A_682 = arith.addf %add3A_667, %exp3A_681 : vector<8x1024xf32>
    %eq3A_683 = arith.constant 152 : i32
    %eq3A_684 = vector.broadcast %eq3A_683 : i32 to vector<8x1024xi32>
    %eq3A_685 = arith.cmpi eq, %sub3A, %eq3A_684 : vector<8x1024xi32>
    %jit3A_686 = arith.constant 0.000000e+00 : f32
    %broadcast_in_dim3A_687 = vector.broadcast %jit3A_686 : f32 to vector<8x1024xf32>
    %select_n3A_688 = arith.select %eq3A_685, %get3A_679, %broadcast_in_dim3A_687 : vector<8x1024xi1>, vector<8x1024xf32>
    %add3A_689 = arith.addf %add3A_674, %select_n3A_688 : vector<8x1024xf32>
    %get3A_690 = arith.constant 0 : index
    %get3A_691 = arith.constant 160 : index
    %get3A_692 = arith.constant 0 : index
    %get3A_693 = vector.load %arg2[%get3A_690, %get3A_691, %get3A_692] : memref<1x512x1024xf32, #tpu.memory_space<vmem>>, vector<1x8x1024xf32>
    %get3A_694 = vector.shape_cast %get3A_693 : vector<1x8x1024xf32> to vector<8x1024xf32>
    %sub3A_695 = arith.subf %get3A_694, %broadcast_in_dim3A_388 : vector<8x1024xf32>
    %exp3A_696 = math.exp %sub3A_695 : vector<8x1024xf32>
    %add3A_697 = arith.addf %add3A_682, %exp3A_696 : vector<8x1024xf32>
    %eq3A_698 = arith.constant 160 : i32
    %eq3A_699 = vector.broadcast %eq3A_698 : i32 to vector<8x1024xi32>
    %eq3A_700 = arith.cmpi eq, %sub3A, %eq3A_699 : vector<8x1024xi32>
    %jit3A_701 = arith.constant 0.000000e+00 : f32
    %broadcast_in_dim3A_702 = vector.broadcast %jit3A_701 : f32 to vector<8x1024xf32>
    %select_n3A_703 = arith.select %eq3A_700, %get3A_694, %broadcast_in_dim3A_702 : vector<8x1024xi1>, vector<8x1024xf32>
    %add3A_704 = arith.addf %add3A_689, %select_n3A_703 : vector<8x1024xf32>
    %get3A_705 = arith.constant 0 : index
    %get3A_706 = arith.constant 168 : index
    %get3A_707 = arith.constant 0 : index
    %get3A_708 = vector.load %arg2[%get3A_705, %get3A_706, %get3A_707] : memref<1x512x1024xf32, #tpu.memory_space<vmem>>, vector<1x8x1024xf32>
    %get3A_709 = vector.shape_cast %get3A_708 : vector<1x8x1024xf32> to vector<8x1024xf32>
    %sub3A_710 = arith.subf %get3A_709, %broadcast_in_dim3A_388 : vector<8x1024xf32>
    %exp3A_711 = math.exp %sub3A_710 : vector<8x1024xf32>
    %add3A_712 = arith.addf %add3A_697, %exp3A_711 : vector<8x1024xf32>
    %eq3A_713 = arith.constant 168 : i32
    %eq3A_714 = vector.broadcast %eq3A_713 : i32 to vector<8x1024xi32>
    %eq3A_715 = arith.cmpi eq, %sub3A, %eq3A_714 : vector<8x1024xi32>
    %jit3A_716 = arith.constant 0.000000e+00 : f32
    %broadcast_in_dim3A_717 = vector.broadcast %jit3A_716 : f32 to vector<8x1024xf32>
    %select_n3A_718 = arith.select %eq3A_715, %get3A_709, %broadcast_in_dim3A_717 : vector<8x1024xi1>, vector<8x1024xf32>
    %add3A_719 = arith.addf %add3A_704, %select_n3A_718 : vector<8x1024xf32>
    %get3A_720 = arith.constant 0 : index
    %get3A_721 = arith.constant 176 : index
    %get3A_722 = arith.constant 0 : index
    %get3A_723 = vector.load %arg2[%get3A_720, %get3A_721, %get3A_722] : memref<1x512x1024xf32, #tpu.memory_space<vmem>>, vector<1x8x1024xf32>
    %get3A_724 = vector.shape_cast %get3A_723 : vector<1x8x1024xf32> to vector<8x1024xf32>
    %sub3A_725 = arith.subf %get3A_724, %broadcast_in_dim3A_388 : vector<8x1024xf32>
    %exp3A_726 = math.exp %sub3A_725 : vector<8x1024xf32>
    %add3A_727 = arith.addf %add3A_712, %exp3A_726 : vector<8x1024xf32>
    %eq3A_728 = arith.constant 176 : i32
    %eq3A_729 = vector.broadcast %eq3A_728 : i32 to vector<8x1024xi32>
    %eq3A_730 = arith.cmpi eq, %sub3A, %eq3A_729 : vector<8x1024xi32>
    %jit3A_731 = arith.constant 0.000000e+00 : f32
    %broadcast_in_dim3A_732 = vector.broadcast %jit3A_731 : f32 to vector<8x1024xf32>
    %select_n3A_733 = arith.select %eq3A_730, %get3A_724, %broadcast_in_dim3A_732 : vector<8x1024xi1>, vector<8x1024xf32>
    %add3A_734 = arith.addf %add3A_719, %select_n3A_733 : vector<8x1024xf32>
    %get3A_735 = arith.constant 0 : index
    %get3A_736 = arith.constant 184 : index
    %get3A_737 = arith.constant 0 : index
    %get3A_738 = vector.load %arg2[%get3A_735, %get3A_736, %get3A_737] : memref<1x512x1024xf32, #tpu.memory_space<vmem>>, vector<1x8x1024xf32>
    %get3A_739 = vector.shape_cast %get3A_738 : vector<1x8x1024xf32> to vector<8x1024xf32>
    %sub3A_740 = arith.subf %get3A_739, %broadcast_in_dim3A_388 : vector<8x1024xf32>
    %exp3A_741 = math.exp %sub3A_740 : vector<8x1024xf32>
    %add3A_742 = arith.addf %add3A_727, %exp3A_741 : vector<8x1024xf32>
    %eq3A_743 = arith.constant 184 : i32
    %eq3A_744 = vector.broadcast %eq3A_743 : i32 to vector<8x1024xi32>
    %eq3A_745 = arith.cmpi eq, %sub3A, %eq3A_744 : vector<8x1024xi32>
    %jit3A_746 = arith.constant 0.000000e+00 : f32
    %broadcast_in_dim3A_747 = vector.broadcast %jit3A_746 : f32 to vector<8x1024xf32>
    %select_n3A_748 = arith.select %eq3A_745, %get3A_739, %broadcast_in_dim3A_747 : vector<8x1024xi1>, vector<8x1024xf32>
    %add3A_749 = arith.addf %add3A_734, %select_n3A_748 : vector<8x1024xf32>
    %get3A_750 = arith.constant 0 : index
    %get3A_751 = arith.constant 192 : index
    %get3A_752 = arith.constant 0 : index
    %get3A_753 = vector.load %arg2[%get3A_750, %get3A_751, %get3A_752] : memref<1x512x1024xf32, #tpu.memory_space<vmem>>, vector<1x8x1024xf32>
    %get3A_754 = vector.shape_cast %get3A_753 : vector<1x8x1024xf32> to vector<8x1024xf32>
    %sub3A_755 = arith.subf %get3A_754, %broadcast_in_dim3A_388 : vector<8x1024xf32>
    %exp3A_756 = math.exp %sub3A_755 : vector<8x1024xf32>
    %add3A_757 = arith.addf %add3A_742, %exp3A_756 : vector<8x1024xf32>
    %eq3A_758 = arith.constant 192 : i32
    %eq3A_759 = vector.broadcast %eq3A_758 : i32 to vector<8x1024xi32>
    %eq3A_760 = arith.cmpi eq, %sub3A, %eq3A_759 : vector<8x1024xi32>
    %jit3A_761 = arith.constant 0.000000e+00 : f32
    %broadcast_in_dim3A_762 = vector.broadcast %jit3A_761 : f32 to vector<8x1024xf32>
    %select_n3A_763 = arith.select %eq3A_760, %get3A_754, %broadcast_in_dim3A_762 : vector<8x1024xi1>, vector<8x1024xf32>
    %add3A_764 = arith.addf %add3A_749, %select_n3A_763 : vector<8x1024xf32>
    %get3A_765 = arith.constant 0 : index
    %get3A_766 = arith.constant 200 : index
    %get3A_767 = arith.constant 0 : index
    %get3A_768 = vector.load %arg2[%get3A_765, %get3A_766, %get3A_767] : memref<1x512x1024xf32, #tpu.memory_space<vmem>>, vector<1x8x1024xf32>
    %get3A_769 = vector.shape_cast %get3A_768 : vector<1x8x1024xf32> to vector<8x1024xf32>
    %sub3A_770 = arith.subf %get3A_769, %broadcast_in_dim3A_388 : vector<8x1024xf32>
    %exp3A_771 = math.exp %sub3A_770 : vector<8x1024xf32>
    %add3A_772 = arith.addf %add3A_757, %exp3A_771 : vector<8x1024xf32>
    %eq3A_773 = arith.constant 200 : i32
    %eq3A_774 = vector.broadcast %eq3A_773 : i32 to vector<8x1024xi32>
    %eq3A_775 = arith.cmpi eq, %sub3A, %eq3A_774 : vector<8x1024xi32>
    %jit3A_776 = arith.constant 0.000000e+00 : f32
    %broadcast_in_dim3A_777 = vector.broadcast %jit3A_776 : f32 to vector<8x1024xf32>
    %select_n3A_778 = arith.select %eq3A_775, %get3A_769, %broadcast_in_dim3A_777 : vector<8x1024xi1>, vector<8x1024xf32>
    %add3A_779 = arith.addf %add3A_764, %select_n3A_778 : vector<8x1024xf32>
    %get3A_780 = arith.constant 0 : index
    %get3A_781 = arith.constant 208 : index
    %get3A_782 = arith.constant 0 : index
    %get3A_783 = vector.load %arg2[%get3A_780, %get3A_781, %get3A_782] : memref<1x512x1024xf32, #tpu.memory_space<vmem>>, vector<1x8x1024xf32>
    %get3A_784 = vector.shape_cast %get3A_783 : vector<1x8x1024xf32> to vector<8x1024xf32>
    %sub3A_785 = arith.subf %get3A_784, %broadcast_in_dim3A_388 : vector<8x1024xf32>
    %exp3A_786 = math.exp %sub3A_785 : vector<8x1024xf32>
    %add3A_787 = arith.addf %add3A_772, %exp3A_786 : vector<8x1024xf32>
    %eq3A_788 = arith.constant 208 : i32
    %eq3A_789 = vector.broadcast %eq3A_788 : i32 to vector<8x1024xi32>
    %eq3A_790 = arith.cmpi eq, %sub3A, %eq3A_789 : vector<8x1024xi32>
    %jit3A_791 = arith.constant 0.000000e+00 : f32
    %broadcast_in_dim3A_792 = vector.broadcast %jit3A_791 : f32 to vector<8x1024xf32>
    %select_n3A_793 = arith.select %eq3A_790, %get3A_784, %broadcast_in_dim3A_792 : vector<8x1024xi1>, vector<8x1024xf32>
    %add3A_794 = arith.addf %add3A_779, %select_n3A_793 : vector<8x1024xf32>
    %get3A_795 = arith.constant 0 : index
    %get3A_796 = arith.constant 216 : index
    %get3A_797 = arith.constant 0 : index
    %get3A_798 = vector.load %arg2[%get3A_795, %get3A_796, %get3A_797] : memref<1x512x1024xf32, #tpu.memory_space<vmem>>, vector<1x8x1024xf32>
    %get3A_799 = vector.shape_cast %get3A_798 : vector<1x8x1024xf32> to vector<8x1024xf32>
    %sub3A_800 = arith.subf %get3A_799, %broadcast_in_dim3A_388 : vector<8x1024xf32>
    %exp3A_801 = math.exp %sub3A_800 : vector<8x1024xf32>
    %add3A_802 = arith.addf %add3A_787, %exp3A_801 : vector<8x1024xf32>
    %eq3A_803 = arith.constant 216 : i32
    %eq3A_804 = vector.broadcast %eq3A_803 : i32 to vector<8x1024xi32>
    %eq3A_805 = arith.cmpi eq, %sub3A, %eq3A_804 : vector<8x1024xi32>
    %jit3A_806 = arith.constant 0.000000e+00 : f32
    %broadcast_in_dim3A_807 = vector.broadcast %jit3A_806 : f32 to vector<8x1024xf32>
    %select_n3A_808 = arith.select %eq3A_805, %get3A_799, %broadcast_in_dim3A_807 : vector<8x1024xi1>, vector<8x1024xf32>
    %add3A_809 = arith.addf %add3A_794, %select_n3A_808 : vector<8x1024xf32>
    %get3A_810 = arith.constant 0 : index
    %get3A_811 = arith.constant 224 : index
    %get3A_812 = arith.constant 0 : index
    %get3A_813 = vector.load %arg2[%get3A_810, %get3A_811, %get3A_812] : memref<1x512x1024xf32, #tpu.memory_space<vmem>>, vector<1x8x1024xf32>
    %get3A_814 = vector.shape_cast %get3A_813 : vector<1x8x1024xf32> to vector<8x1024xf32>
    %sub3A_815 = arith.subf %get3A_814, %broadcast_in_dim3A_388 : vector<8x1024xf32>
    %exp3A_816 = math.exp %sub3A_815 : vector<8x1024xf32>
    %add3A_817 = arith.addf %add3A_802, %exp3A_816 : vector<8x1024xf32>
    %eq3A_818 = arith.constant 224 : i32
    %eq3A_819 = vector.broadcast %eq3A_818 : i32 to vector<8x1024xi32>
    %eq3A_820 = arith.cmpi eq, %sub3A, %eq3A_819 : vector<8x1024xi32>
    %jit3A_821 = arith.constant 0.000000e+00 : f32
    %broadcast_in_dim3A_822 = vector.broadcast %jit3A_821 : f32 to vector<8x1024xf32>
    %select_n3A_823 = arith.select %eq3A_820, %get3A_814, %broadcast_in_dim3A_822 : vector<8x1024xi1>, vector<8x1024xf32>
    %add3A_824 = arith.addf %add3A_809, %select_n3A_823 : vector<8x1024xf32>
    %get3A_825 = arith.constant 0 : index
    %get3A_826 = arith.constant 232 : index
    %get3A_827 = arith.constant 0 : index
    %get3A_828 = vector.load %arg2[%get3A_825, %get3A_826, %get3A_827] : memref<1x512x1024xf32, #tpu.memory_space<vmem>>, vector<1x8x1024xf32>
    %get3A_829 = vector.shape_cast %get3A_828 : vector<1x8x1024xf32> to vector<8x1024xf32>
    %sub3A_830 = arith.subf %get3A_829, %broadcast_in_dim3A_388 : vector<8x1024xf32>
    %exp3A_831 = math.exp %sub3A_830 : vector<8x1024xf32>
    %add3A_832 = arith.addf %add3A_817, %exp3A_831 : vector<8x1024xf32>
    %eq3A_833 = arith.constant 232 : i32
    %eq3A_834 = vector.broadcast %eq3A_833 : i32 to vector<8x1024xi32>
    %eq3A_835 = arith.cmpi eq, %sub3A, %eq3A_834 : vector<8x1024xi32>
    %jit3A_836 = arith.constant 0.000000e+00 : f32
    %broadcast_in_dim3A_837 = vector.broadcast %jit3A_836 : f32 to vector<8x1024xf32>
    %select_n3A_838 = arith.select %eq3A_835, %get3A_829, %broadcast_in_dim3A_837 : vector<8x1024xi1>, vector<8x1024xf32>
    %add3A_839 = arith.addf %add3A_824, %select_n3A_838 : vector<8x1024xf32>
    %get3A_840 = arith.constant 0 : index
    %get3A_841 = arith.constant 240 : index
    %get3A_842 = arith.constant 0 : index
    %get3A_843 = vector.load %arg2[%get3A_840, %get3A_841, %get3A_842] : memref<1x512x1024xf32, #tpu.memory_space<vmem>>, vector<1x8x1024xf32>
    %get3A_844 = vector.shape_cast %get3A_843 : vector<1x8x1024xf32> to vector<8x1024xf32>
    %sub3A_845 = arith.subf %get3A_844, %broadcast_in_dim3A_388 : vector<8x1024xf32>
    %exp3A_846 = math.exp %sub3A_845 : vector<8x1024xf32>
    %add3A_847 = arith.addf %add3A_832, %exp3A_846 : vector<8x1024xf32>
    %eq3A_848 = arith.constant 240 : i32
    %eq3A_849 = vector.broadcast %eq3A_848 : i32 to vector<8x1024xi32>
    %eq3A_850 = arith.cmpi eq, %sub3A, %eq3A_849 : vector<8x1024xi32>
    %jit3A_851 = arith.constant 0.000000e+00 : f32
    %broadcast_in_dim3A_852 = vector.broadcast %jit3A_851 : f32 to vector<8x1024xf32>
    %select_n3A_853 = arith.select %eq3A_850, %get3A_844, %broadcast_in_dim3A_852 : vector<8x1024xi1>, vector<8x1024xf32>
    %add3A_854 = arith.addf %add3A_839, %select_n3A_853 : vector<8x1024xf32>
    %get3A_855 = arith.constant 0 : index
    %get3A_856 = arith.constant 248 : index
    %get3A_857 = arith.constant 0 : index
    %get3A_858 = vector.load %arg2[%get3A_855, %get3A_856, %get3A_857] : memref<1x512x1024xf32, #tpu.memory_space<vmem>>, vector<1x8x1024xf32>
    %get3A_859 = vector.shape_cast %get3A_858 : vector<1x8x1024xf32> to vector<8x1024xf32>
    %sub3A_860 = arith.subf %get3A_859, %broadcast_in_dim3A_388 : vector<8x1024xf32>
    %exp3A_861 = math.exp %sub3A_860 : vector<8x1024xf32>
    %add3A_862 = arith.addf %add3A_847, %exp3A_861 : vector<8x1024xf32>
    %eq3A_863 = arith.constant 248 : i32
    %eq3A_864 = vector.broadcast %eq3A_863 : i32 to vector<8x1024xi32>
    %eq3A_865 = arith.cmpi eq, %sub3A, %eq3A_864 : vector<8x1024xi32>
    %jit3A_866 = arith.constant 0.000000e+00 : f32
    %broadcast_in_dim3A_867 = vector.broadcast %jit3A_866 : f32 to vector<8x1024xf32>
    %select_n3A_868 = arith.select %eq3A_865, %get3A_859, %broadcast_in_dim3A_867 : vector<8x1024xi1>, vector<8x1024xf32>
    %add3A_869 = arith.addf %add3A_854, %select_n3A_868 : vector<8x1024xf32>
    %get3A_870 = arith.constant 0 : index
    %get3A_871 = arith.constant 256 : index
    %get3A_872 = arith.constant 0 : index
    %get3A_873 = vector.load %arg2[%get3A_870, %get3A_871, %get3A_872] : memref<1x512x1024xf32, #tpu.memory_space<vmem>>, vector<1x8x1024xf32>
    %get3A_874 = vector.shape_cast %get3A_873 : vector<1x8x1024xf32> to vector<8x1024xf32>
    %sub3A_875 = arith.subf %get3A_874, %broadcast_in_dim3A_388 : vector<8x1024xf32>
    %exp3A_876 = math.exp %sub3A_875 : vector<8x1024xf32>
    %add3A_877 = arith.addf %add3A_862, %exp3A_876 : vector<8x1024xf32>
    %eq3A_878 = arith.constant 256 : i32
    %eq3A_879 = vector.broadcast %eq3A_878 : i32 to vector<8x1024xi32>
    %eq3A_880 = arith.cmpi eq, %sub3A, %eq3A_879 : vector<8x1024xi32>
    %jit3A_881 = arith.constant 0.000000e+00 : f32
    %broadcast_in_dim3A_882 = vector.broadcast %jit3A_881 : f32 to vector<8x1024xf32>
    %select_n3A_883 = arith.select %eq3A_880, %get3A_874, %broadcast_in_dim3A_882 : vector<8x1024xi1>, vector<8x1024xf32>
    %add3A_884 = arith.addf %add3A_869, %select_n3A_883 : vector<8x1024xf32>
    %get3A_885 = arith.constant 0 : index
    %get3A_886 = arith.constant 264 : index
    %get3A_887 = arith.constant 0 : index
    %get3A_888 = vector.load %arg2[%get3A_885, %get3A_886, %get3A_887] : memref<1x512x1024xf32, #tpu.memory_space<vmem>>, vector<1x8x1024xf32>
    %get3A_889 = vector.shape_cast %get3A_888 : vector<1x8x1024xf32> to vector<8x1024xf32>
    %sub3A_890 = arith.subf %get3A_889, %broadcast_in_dim3A_388 : vector<8x1024xf32>
    %exp3A_891 = math.exp %sub3A_890 : vector<8x1024xf32>
    %add3A_892 = arith.addf %add3A_877, %exp3A_891 : vector<8x1024xf32>
    %eq3A_893 = arith.constant 264 : i32
    %eq3A_894 = vector.broadcast %eq3A_893 : i32 to vector<8x1024xi32>
    %eq3A_895 = arith.cmpi eq, %sub3A, %eq3A_894 : vector<8x1024xi32>
    %jit3A_896 = arith.constant 0.000000e+00 : f32
    %broadcast_in_dim3A_897 = vector.broadcast %jit3A_896 : f32 to vector<8x1024xf32>
    %select_n3A_898 = arith.select %eq3A_895, %get3A_889, %broadcast_in_dim3A_897 : vector<8x1024xi1>, vector<8x1024xf32>
    %add3A_899 = arith.addf %add3A_884, %select_n3A_898 : vector<8x1024xf32>
    %get3A_900 = arith.constant 0 : index
    %get3A_901 = arith.constant 272 : index
    %get3A_902 = arith.constant 0 : index
    %get3A_903 = vector.load %arg2[%get3A_900, %get3A_901, %get3A_902] : memref<1x512x1024xf32, #tpu.memory_space<vmem>>, vector<1x8x1024xf32>
    %get3A_904 = vector.shape_cast %get3A_903 : vector<1x8x1024xf32> to vector<8x1024xf32>
    %sub3A_905 = arith.subf %get3A_904, %broadcast_in_dim3A_388 : vector<8x1024xf32>
    %exp3A_906 = math.exp %sub3A_905 : vector<8x1024xf32>
    %add3A_907 = arith.addf %add3A_892, %exp3A_906 : vector<8x1024xf32>
    %eq3A_908 = arith.constant 272 : i32
    %eq3A_909 = vector.broadcast %eq3A_908 : i32 to vector<8x1024xi32>
    %eq3A_910 = arith.cmpi eq, %sub3A, %eq3A_909 : vector<8x1024xi32>
    %jit3A_911 = arith.constant 0.000000e+00 : f32
    %broadcast_in_dim3A_912 = vector.broadcast %jit3A_911 : f32 to vector<8x1024xf32>
    %select_n3A_913 = arith.select %eq3A_910, %get3A_904, %broadcast_in_dim3A_912 : vector<8x1024xi1>, vector<8x1024xf32>
    %add3A_914 = arith.addf %add3A_899, %select_n3A_913 : vector<8x1024xf32>
    %get3A_915 = arith.constant 0 : index
    %get3A_916 = arith.constant 280 : index
    %get3A_917 = arith.constant 0 : index
    %get3A_918 = vector.load %arg2[%get3A_915, %get3A_916, %get3A_917] : memref<1x512x1024xf32, #tpu.memory_space<vmem>>, vector<1x8x1024xf32>
    %get3A_919 = vector.shape_cast %get3A_918 : vector<1x8x1024xf32> to vector<8x1024xf32>
    %sub3A_920 = arith.subf %get3A_919, %broadcast_in_dim3A_388 : vector<8x1024xf32>
    %exp3A_921 = math.exp %sub3A_920 : vector<8x1024xf32>
    %add3A_922 = arith.addf %add3A_907, %exp3A_921 : vector<8x1024xf32>
    %eq3A_923 = arith.constant 280 : i32
    %eq3A_924 = vector.broadcast %eq3A_923 : i32 to vector<8x1024xi32>
    %eq3A_925 = arith.cmpi eq, %sub3A, %eq3A_924 : vector<8x1024xi32>
    %jit3A_926 = arith.constant 0.000000e+00 : f32
    %broadcast_in_dim3A_927 = vector.broadcast %jit3A_926 : f32 to vector<8x1024xf32>
    %select_n3A_928 = arith.select %eq3A_925, %get3A_919, %broadcast_in_dim3A_927 : vector<8x1024xi1>, vector<8x1024xf32>
    %add3A_929 = arith.addf %add3A_914, %select_n3A_928 : vector<8x1024xf32>
    %get3A_930 = arith.constant 0 : index
    %get3A_931 = arith.constant 288 : index
    %get3A_932 = arith.constant 0 : index
    %get3A_933 = vector.load %arg2[%get3A_930, %get3A_931, %get3A_932] : memref<1x512x1024xf32, #tpu.memory_space<vmem>>, vector<1x8x1024xf32>
    %get3A_934 = vector.shape_cast %get3A_933 : vector<1x8x1024xf32> to vector<8x1024xf32>
    %sub3A_935 = arith.subf %get3A_934, %broadcast_in_dim3A_388 : vector<8x1024xf32>
    %exp3A_936 = math.exp %sub3A_935 : vector<8x1024xf32>
    %add3A_937 = arith.addf %add3A_922, %exp3A_936 : vector<8x1024xf32>
    %eq3A_938 = arith.constant 288 : i32
    %eq3A_939 = vector.broadcast %eq3A_938 : i32 to vector<8x1024xi32>
    %eq3A_940 = arith.cmpi eq, %sub3A, %eq3A_939 : vector<8x1024xi32>
    %jit3A_941 = arith.constant 0.000000e+00 : f32
    %broadcast_in_dim3A_942 = vector.broadcast %jit3A_941 : f32 to vector<8x1024xf32>
    %select_n3A_943 = arith.select %eq3A_940, %get3A_934, %broadcast_in_dim3A_942 : vector<8x1024xi1>, vector<8x1024xf32>
    %add3A_944 = arith.addf %add3A_929, %select_n3A_943 : vector<8x1024xf32>
    %get3A_945 = arith.constant 0 : index
    %get3A_946 = arith.constant 296 : index
    %get3A_947 = arith.constant 0 : index
    %get3A_948 = vector.load %arg2[%get3A_945, %get3A_946, %get3A_947] : memref<1x512x1024xf32, #tpu.memory_space<vmem>>, vector<1x8x1024xf32>
    %get3A_949 = vector.shape_cast %get3A_948 : vector<1x8x1024xf32> to vector<8x1024xf32>
    %sub3A_950 = arith.subf %get3A_949, %broadcast_in_dim3A_388 : vector<8x1024xf32>
    %exp3A_951 = math.exp %sub3A_950 : vector<8x1024xf32>
    %add3A_952 = arith.addf %add3A_937, %exp3A_951 : vector<8x1024xf32>
    %eq3A_953 = arith.constant 296 : i32
    %eq3A_954 = vector.broadcast %eq3A_953 : i32 to vector<8x1024xi32>
    %eq3A_955 = arith.cmpi eq, %sub3A, %eq3A_954 : vector<8x1024xi32>
    %jit3A_956 = arith.constant 0.000000e+00 : f32
    %broadcast_in_dim3A_957 = vector.broadcast %jit3A_956 : f32 to vector<8x1024xf32>
    %select_n3A_958 = arith.select %eq3A_955, %get3A_949, %broadcast_in_dim3A_957 : vector<8x1024xi1>, vector<8x1024xf32>
    %add3A_959 = arith.addf %add3A_944, %select_n3A_958 : vector<8x1024xf32>
    %get3A_960 = arith.constant 0 : index
    %get3A_961 = arith.constant 304 : index
    %get3A_962 = arith.constant 0 : index
    %get3A_963 = vector.load %arg2[%get3A_960, %get3A_961, %get3A_962] : memref<1x512x1024xf32, #tpu.memory_space<vmem>>, vector<1x8x1024xf32>
    %get3A_964 = vector.shape_cast %get3A_963 : vector<1x8x1024xf32> to vector<8x1024xf32>
    %sub3A_965 = arith.subf %get3A_964, %broadcast_in_dim3A_388 : vector<8x1024xf32>
    %exp3A_966 = math.exp %sub3A_965 : vector<8x1024xf32>
    %add3A_967 = arith.addf %add3A_952, %exp3A_966 : vector<8x1024xf32>
    %eq3A_968 = arith.constant 304 : i32
    %eq3A_969 = vector.broadcast %eq3A_968 : i32 to vector<8x1024xi32>
    %eq3A_970 = arith.cmpi eq, %sub3A, %eq3A_969 : vector<8x1024xi32>
    %jit3A_971 = arith.constant 0.000000e+00 : f32
    %broadcast_in_dim3A_972 = vector.broadcast %jit3A_971 : f32 to vector<8x1024xf32>
    %select_n3A_973 = arith.select %eq3A_970, %get3A_964, %broadcast_in_dim3A_972 : vector<8x1024xi1>, vector<8x1024xf32>
    %add3A_974 = arith.addf %add3A_959, %select_n3A_973 : vector<8x1024xf32>
    %get3A_975 = arith.constant 0 : index
    %get3A_976 = arith.constant 312 : index
    %get3A_977 = arith.constant 0 : index
    %get3A_978 = vector.load %arg2[%get3A_975, %get3A_976, %get3A_977] : memref<1x512x1024xf32, #tpu.memory_space<vmem>>, vector<1x8x1024xf32>
    %get3A_979 = vector.shape_cast %get3A_978 : vector<1x8x1024xf32> to vector<8x1024xf32>
    %sub3A_980 = arith.subf %get3A_979, %broadcast_in_dim3A_388 : vector<8x1024xf32>
    %exp3A_981 = math.exp %sub3A_980 : vector<8x1024xf32>
    %add3A_982 = arith.addf %add3A_967, %exp3A_981 : vector<8x1024xf32>
    %eq3A_983 = arith.constant 312 : i32
    %eq3A_984 = vector.broadcast %eq3A_983 : i32 to vector<8x1024xi32>
    %eq3A_985 = arith.cmpi eq, %sub3A, %eq3A_984 : vector<8x1024xi32>
    %jit3A_986 = arith.constant 0.000000e+00 : f32
    %broadcast_in_dim3A_987 = vector.broadcast %jit3A_986 : f32 to vector<8x1024xf32>
    %select_n3A_988 = arith.select %eq3A_985, %get3A_979, %broadcast_in_dim3A_987 : vector<8x1024xi1>, vector<8x1024xf32>
    %add3A_989 = arith.addf %add3A_974, %select_n3A_988 : vector<8x1024xf32>
    %get3A_990 = arith.constant 0 : index
    %get3A_991 = arith.constant 320 : index
    %get3A_992 = arith.constant 0 : index
    %get3A_993 = vector.load %arg2[%get3A_990, %get3A_991, %get3A_992] : memref<1x512x1024xf32, #tpu.memory_space<vmem>>, vector<1x8x1024xf32>
    %get3A_994 = vector.shape_cast %get3A_993 : vector<1x8x1024xf32> to vector<8x1024xf32>
    %sub3A_995 = arith.subf %get3A_994, %broadcast_in_dim3A_388 : vector<8x1024xf32>
    %exp3A_996 = math.exp %sub3A_995 : vector<8x1024xf32>
    %add3A_997 = arith.addf %add3A_982, %exp3A_996 : vector<8x1024xf32>
    %eq3A_998 = arith.constant 320 : i32
    %eq3A_999 = vector.broadcast %eq3A_998 : i32 to vector<8x1024xi32>
    %eq3A_1000 = arith.cmpi eq, %sub3A, %eq3A_999 : vector<8x1024xi32>
    %jit3A_1001 = arith.constant 0.000000e+00 : f32
    %broadcast_in_dim3A_1002 = vector.broadcast %jit3A_1001 : f32 to vector<8x1024xf32>
    %select_n3A_1003 = arith.select %eq3A_1000, %get3A_994, %broadcast_in_dim3A_1002 : vector<8x1024xi1>, vector<8x1024xf32>
    %add3A_1004 = arith.addf %add3A_989, %select_n3A_1003 : vector<8x1024xf32>
    %get3A_1005 = arith.constant 0 : index
    %get3A_1006 = arith.constant 328 : index
    %get3A_1007 = arith.constant 0 : index
    %get3A_1008 = vector.load %arg2[%get3A_1005, %get3A_1006, %get3A_1007] : memref<1x512x1024xf32, #tpu.memory_space<vmem>>, vector<1x8x1024xf32>
    %get3A_1009 = vector.shape_cast %get3A_1008 : vector<1x8x1024xf32> to vector<8x1024xf32>
    %sub3A_1010 = arith.subf %get3A_1009, %broadcast_in_dim3A_388 : vector<8x1024xf32>
    %exp3A_1011 = math.exp %sub3A_1010 : vector<8x1024xf32>
    %add3A_1012 = arith.addf %add3A_997, %exp3A_1011 : vector<8x1024xf32>
    %eq3A_1013 = arith.constant 328 : i32
    %eq3A_1014 = vector.broadcast %eq3A_1013 : i32 to vector<8x1024xi32>
    %eq3A_1015 = arith.cmpi eq, %sub3A, %eq3A_1014 : vector<8x1024xi32>
    %jit3A_1016 = arith.constant 0.000000e+00 : f32
    %broadcast_in_dim3A_1017 = vector.broadcast %jit3A_1016 : f32 to vector<8x1024xf32>
    %select_n3A_1018 = arith.select %eq3A_1015, %get3A_1009, %broadcast_in_dim3A_1017 : vector<8x1024xi1>, vector<8x1024xf32>
    %add3A_1019 = arith.addf %add3A_1004, %select_n3A_1018 : vector<8x1024xf32>
    %get3A_1020 = arith.constant 0 : index
    %get3A_1021 = arith.constant 336 : index
    %get3A_1022 = arith.constant 0 : index
    %get3A_1023 = vector.load %arg2[%get3A_1020, %get3A_1021, %get3A_1022] : memref<1x512x1024xf32, #tpu.memory_space<vmem>>, vector<1x8x1024xf32>
    %get3A_1024 = vector.shape_cast %get3A_1023 : vector<1x8x1024xf32> to vector<8x1024xf32>
    %sub3A_1025 = arith.subf %get3A_1024, %broadcast_in_dim3A_388 : vector<8x1024xf32>
    %exp3A_1026 = math.exp %sub3A_1025 : vector<8x1024xf32>
    %add3A_1027 = arith.addf %add3A_1012, %exp3A_1026 : vector<8x1024xf32>
    %eq3A_1028 = arith.constant 336 : i32
    %eq3A_1029 = vector.broadcast %eq3A_1028 : i32 to vector<8x1024xi32>
    %eq3A_1030 = arith.cmpi eq, %sub3A, %eq3A_1029 : vector<8x1024xi32>
    %jit3A_1031 = arith.constant 0.000000e+00 : f32
    %broadcast_in_dim3A_1032 = vector.broadcast %jit3A_1031 : f32 to vector<8x1024xf32>
    %select_n3A_1033 = arith.select %eq3A_1030, %get3A_1024, %broadcast_in_dim3A_1032 : vector<8x1024xi1>, vector<8x1024xf32>
    %add3A_1034 = arith.addf %add3A_1019, %select_n3A_1033 : vector<8x1024xf32>
    %get3A_1035 = arith.constant 0 : index
    %get3A_1036 = arith.constant 344 : index
    %get3A_1037 = arith.constant 0 : index
    %get3A_1038 = vector.load %arg2[%get3A_1035, %get3A_1036, %get3A_1037] : memref<1x512x1024xf32, #tpu.memory_space<vmem>>, vector<1x8x1024xf32>
    %get3A_1039 = vector.shape_cast %get3A_1038 : vector<1x8x1024xf32> to vector<8x1024xf32>
    %sub3A_1040 = arith.subf %get3A_1039, %broadcast_in_dim3A_388 : vector<8x1024xf32>
    %exp3A_1041 = math.exp %sub3A_1040 : vector<8x1024xf32>
    %add3A_1042 = arith.addf %add3A_1027, %exp3A_1041 : vector<8x1024xf32>
    %eq3A_1043 = arith.constant 344 : i32
    %eq3A_1044 = vector.broadcast %eq3A_1043 : i32 to vector<8x1024xi32>
    %eq3A_1045 = arith.cmpi eq, %sub3A, %eq3A_1044 : vector<8x1024xi32>
    %jit3A_1046 = arith.constant 0.000000e+00 : f32
    %broadcast_in_dim3A_1047 = vector.broadcast %jit3A_1046 : f32 to vector<8x1024xf32>
    %select_n3A_1048 = arith.select %eq3A_1045, %get3A_1039, %broadcast_in_dim3A_1047 : vector<8x1024xi1>, vector<8x1024xf32>
    %add3A_1049 = arith.addf %add3A_1034, %select_n3A_1048 : vector<8x1024xf32>
    %get3A_1050 = arith.constant 0 : index
    %get3A_1051 = arith.constant 352 : index
    %get3A_1052 = arith.constant 0 : index
    %get3A_1053 = vector.load %arg2[%get3A_1050, %get3A_1051, %get3A_1052] : memref<1x512x1024xf32, #tpu.memory_space<vmem>>, vector<1x8x1024xf32>
    %get3A_1054 = vector.shape_cast %get3A_1053 : vector<1x8x1024xf32> to vector<8x1024xf32>
    %sub3A_1055 = arith.subf %get3A_1054, %broadcast_in_dim3A_388 : vector<8x1024xf32>
    %exp3A_1056 = math.exp %sub3A_1055 : vector<8x1024xf32>
    %add3A_1057 = arith.addf %add3A_1042, %exp3A_1056 : vector<8x1024xf32>
    %eq3A_1058 = arith.constant 352 : i32
    %eq3A_1059 = vector.broadcast %eq3A_1058 : i32 to vector<8x1024xi32>
    %eq3A_1060 = arith.cmpi eq, %sub3A, %eq3A_1059 : vector<8x1024xi32>
    %jit3A_1061 = arith.constant 0.000000e+00 : f32
    %broadcast_in_dim3A_1062 = vector.broadcast %jit3A_1061 : f32 to vector<8x1024xf32>
    %select_n3A_1063 = arith.select %eq3A_1060, %get3A_1054, %broadcast_in_dim3A_1062 : vector<8x1024xi1>, vector<8x1024xf32>
    %add3A_1064 = arith.addf %add3A_1049, %select_n3A_1063 : vector<8x1024xf32>
    %get3A_1065 = arith.constant 0 : index
    %get3A_1066 = arith.constant 360 : index
    %get3A_1067 = arith.constant 0 : index
    %get3A_1068 = vector.load %arg2[%get3A_1065, %get3A_1066, %get3A_1067] : memref<1x512x1024xf32, #tpu.memory_space<vmem>>, vector<1x8x1024xf32>
    %get3A_1069 = vector.shape_cast %get3A_1068 : vector<1x8x1024xf32> to vector<8x1024xf32>
    %sub3A_1070 = arith.subf %get3A_1069, %broadcast_in_dim3A_388 : vector<8x1024xf32>
    %exp3A_1071 = math.exp %sub3A_1070 : vector<8x1024xf32>
    %add3A_1072 = arith.addf %add3A_1057, %exp3A_1071 : vector<8x1024xf32>
    %eq3A_1073 = arith.constant 360 : i32
    %eq3A_1074 = vector.broadcast %eq3A_1073 : i32 to vector<8x1024xi32>
    %eq3A_1075 = arith.cmpi eq, %sub3A, %eq3A_1074 : vector<8x1024xi32>
    %jit3A_1076 = arith.constant 0.000000e+00 : f32
    %broadcast_in_dim3A_1077 = vector.broadcast %jit3A_1076 : f32 to vector<8x1024xf32>
    %select_n3A_1078 = arith.select %eq3A_1075, %get3A_1069, %broadcast_in_dim3A_1077 : vector<8x1024xi1>, vector<8x1024xf32>
    %add3A_1079 = arith.addf %add3A_1064, %select_n3A_1078 : vector<8x1024xf32>
    %get3A_1080 = arith.constant 0 : index
    %get3A_1081 = arith.constant 368 : index
    %get3A_1082 = arith.constant 0 : index
    %get3A_1083 = vector.load %arg2[%get3A_1080, %get3A_1081, %get3A_1082] : memref<1x512x1024xf32, #tpu.memory_space<vmem>>, vector<1x8x1024xf32>
    %get3A_1084 = vector.shape_cast %get3A_1083 : vector<1x8x1024xf32> to vector<8x1024xf32>
    %sub3A_1085 = arith.subf %get3A_1084, %broadcast_in_dim3A_388 : vector<8x1024xf32>
    %exp3A_1086 = math.exp %sub3A_1085 : vector<8x1024xf32>
    %add3A_1087 = arith.addf %add3A_1072, %exp3A_1086 : vector<8x1024xf32>
    %eq3A_1088 = arith.constant 368 : i32
    %eq3A_1089 = vector.broadcast %eq3A_1088 : i32 to vector<8x1024xi32>
    %eq3A_1090 = arith.cmpi eq, %sub3A, %eq3A_1089 : vector<8x1024xi32>
    %jit3A_1091 = arith.constant 0.000000e+00 : f32
    %broadcast_in_dim3A_1092 = vector.broadcast %jit3A_1091 : f32 to vector<8x1024xf32>
    %select_n3A_1093 = arith.select %eq3A_1090, %get3A_1084, %broadcast_in_dim3A_1092 : vector<8x1024xi1>, vector<8x1024xf32>
    %add3A_1094 = arith.addf %add3A_1079, %select_n3A_1093 : vector<8x1024xf32>
    %get3A_1095 = arith.constant 0 : index
    %get3A_1096 = arith.constant 376 : index
    %get3A_1097 = arith.constant 0 : index
    %get3A_1098 = vector.load %arg2[%get3A_1095, %get3A_1096, %get3A_1097] : memref<1x512x1024xf32, #tpu.memory_space<vmem>>, vector<1x8x1024xf32>
    %get3A_1099 = vector.shape_cast %get3A_1098 : vector<1x8x1024xf32> to vector<8x1024xf32>
    %sub3A_1100 = arith.subf %get3A_1099, %broadcast_in_dim3A_388 : vector<8x1024xf32>
    %exp3A_1101 = math.exp %sub3A_1100 : vector<8x1024xf32>
    %add3A_1102 = arith.addf %add3A_1087, %exp3A_1101 : vector<8x1024xf32>
    %eq3A_1103 = arith.constant 376 : i32
    %eq3A_1104 = vector.broadcast %eq3A_1103 : i32 to vector<8x1024xi32>
    %eq3A_1105 = arith.cmpi eq, %sub3A, %eq3A_1104 : vector<8x1024xi32>
    %jit3A_1106 = arith.constant 0.000000e+00 : f32
    %broadcast_in_dim3A_1107 = vector.broadcast %jit3A_1106 : f32 to vector<8x1024xf32>
    %select_n3A_1108 = arith.select %eq3A_1105, %get3A_1099, %broadcast_in_dim3A_1107 : vector<8x1024xi1>, vector<8x1024xf32>
    %add3A_1109 = arith.addf %add3A_1094, %select_n3A_1108 : vector<8x1024xf32>
    %get3A_1110 = arith.constant 0 : index
    %get3A_1111 = arith.constant 384 : index
    %get3A_1112 = arith.constant 0 : index
    %get3A_1113 = vector.load %arg2[%get3A_1110, %get3A_1111, %get3A_1112] : memref<1x512x1024xf32, #tpu.memory_space<vmem>>, vector<1x8x1024xf32>
    %get3A_1114 = vector.shape_cast %get3A_1113 : vector<1x8x1024xf32> to vector<8x1024xf32>
    %sub3A_1115 = arith.subf %get3A_1114, %broadcast_in_dim3A_388 : vector<8x1024xf32>
    %exp3A_1116 = math.exp %sub3A_1115 : vector<8x1024xf32>
    %add3A_1117 = arith.addf %add3A_1102, %exp3A_1116 : vector<8x1024xf32>
    %eq3A_1118 = arith.constant 384 : i32
    %eq3A_1119 = vector.broadcast %eq3A_1118 : i32 to vector<8x1024xi32>
    %eq3A_1120 = arith.cmpi eq, %sub3A, %eq3A_1119 : vector<8x1024xi32>
    %jit3A_1121 = arith.constant 0.000000e+00 : f32
    %broadcast_in_dim3A_1122 = vector.broadcast %jit3A_1121 : f32 to vector<8x1024xf32>
    %select_n3A_1123 = arith.select %eq3A_1120, %get3A_1114, %broadcast_in_dim3A_1122 : vector<8x1024xi1>, vector<8x1024xf32>
    %add3A_1124 = arith.addf %add3A_1109, %select_n3A_1123 : vector<8x1024xf32>
    %get3A_1125 = arith.constant 0 : index
    %get3A_1126 = arith.constant 392 : index
    %get3A_1127 = arith.constant 0 : index
    %get3A_1128 = vector.load %arg2[%get3A_1125, %get3A_1126, %get3A_1127] : memref<1x512x1024xf32, #tpu.memory_space<vmem>>, vector<1x8x1024xf32>
    %get3A_1129 = vector.shape_cast %get3A_1128 : vector<1x8x1024xf32> to vector<8x1024xf32>
    %sub3A_1130 = arith.subf %get3A_1129, %broadcast_in_dim3A_388 : vector<8x1024xf32>
    %exp3A_1131 = math.exp %sub3A_1130 : vector<8x1024xf32>
    %add3A_1132 = arith.addf %add3A_1117, %exp3A_1131 : vector<8x1024xf32>
    %eq3A_1133 = arith.constant 392 : i32
    %eq3A_1134 = vector.broadcast %eq3A_1133 : i32 to vector<8x1024xi32>
    %eq3A_1135 = arith.cmpi eq, %sub3A, %eq3A_1134 : vector<8x1024xi32>
    %jit3A_1136 = arith.constant 0.000000e+00 : f32
    %broadcast_in_dim3A_1137 = vector.broadcast %jit3A_1136 : f32 to vector<8x1024xf32>
    %select_n3A_1138 = arith.select %eq3A_1135, %get3A_1129, %broadcast_in_dim3A_1137 : vector<8x1024xi1>, vector<8x1024xf32>
    %add3A_1139 = arith.addf %add3A_1124, %select_n3A_1138 : vector<8x1024xf32>
    %get3A_1140 = arith.constant 0 : index
    %get3A_1141 = arith.constant 400 : index
    %get3A_1142 = arith.constant 0 : index
    %get3A_1143 = vector.load %arg2[%get3A_1140, %get3A_1141, %get3A_1142] : memref<1x512x1024xf32, #tpu.memory_space<vmem>>, vector<1x8x1024xf32>
    %get3A_1144 = vector.shape_cast %get3A_1143 : vector<1x8x1024xf32> to vector<8x1024xf32>
    %sub3A_1145 = arith.subf %get3A_1144, %broadcast_in_dim3A_388 : vector<8x1024xf32>
    %exp3A_1146 = math.exp %sub3A_1145 : vector<8x1024xf32>
    %add3A_1147 = arith.addf %add3A_1132, %exp3A_1146 : vector<8x1024xf32>
    %eq3A_1148 = arith.constant 400 : i32
    %eq3A_1149 = vector.broadcast %eq3A_1148 : i32 to vector<8x1024xi32>
    %eq3A_1150 = arith.cmpi eq, %sub3A, %eq3A_1149 : vector<8x1024xi32>
    %jit3A_1151 = arith.constant 0.000000e+00 : f32
    %broadcast_in_dim3A_1152 = vector.broadcast %jit3A_1151 : f32 to vector<8x1024xf32>
    %select_n3A_1153 = arith.select %eq3A_1150, %get3A_1144, %broadcast_in_dim3A_1152 : vector<8x1024xi1>, vector<8x1024xf32>
    %add3A_1154 = arith.addf %add3A_1139, %select_n3A_1153 : vector<8x1024xf32>
    %get3A_1155 = arith.constant 0 : index
    %get3A_1156 = arith.constant 408 : index
    %get3A_1157 = arith.constant 0 : index
    %get3A_1158 = vector.load %arg2[%get3A_1155, %get3A_1156, %get3A_1157] : memref<1x512x1024xf32, #tpu.memory_space<vmem>>, vector<1x8x1024xf32>
    %get3A_1159 = vector.shape_cast %get3A_1158 : vector<1x8x1024xf32> to vector<8x1024xf32>
    %sub3A_1160 = arith.subf %get3A_1159, %broadcast_in_dim3A_388 : vector<8x1024xf32>
    %exp3A_1161 = math.exp %sub3A_1160 : vector<8x1024xf32>
    %add3A_1162 = arith.addf %add3A_1147, %exp3A_1161 : vector<8x1024xf32>
    %eq3A_1163 = arith.constant 408 : i32
    %eq3A_1164 = vector.broadcast %eq3A_1163 : i32 to vector<8x1024xi32>
    %eq3A_1165 = arith.cmpi eq, %sub3A, %eq3A_1164 : vector<8x1024xi32>
    %jit3A_1166 = arith.constant 0.000000e+00 : f32
    %broadcast_in_dim3A_1167 = vector.broadcast %jit3A_1166 : f32 to vector<8x1024xf32>
    %select_n3A_1168 = arith.select %eq3A_1165, %get3A_1159, %broadcast_in_dim3A_1167 : vector<8x1024xi1>, vector<8x1024xf32>
    %add3A_1169 = arith.addf %add3A_1154, %select_n3A_1168 : vector<8x1024xf32>
    %get3A_1170 = arith.constant 0 : index
    %get3A_1171 = arith.constant 416 : index
    %get3A_1172 = arith.constant 0 : index
    %get3A_1173 = vector.load %arg2[%get3A_1170, %get3A_1171, %get3A_1172] : memref<1x512x1024xf32, #tpu.memory_space<vmem>>, vector<1x8x1024xf32>
    %get3A_1174 = vector.shape_cast %get3A_1173 : vector<1x8x1024xf32> to vector<8x1024xf32>
    %sub3A_1175 = arith.subf %get3A_1174, %broadcast_in_dim3A_388 : vector<8x1024xf32>
    %exp3A_1176 = math.exp %sub3A_1175 : vector<8x1024xf32>
    %add3A_1177 = arith.addf %add3A_1162, %exp3A_1176 : vector<8x1024xf32>
    %eq3A_1178 = arith.constant 416 : i32
    %eq3A_1179 = vector.broadcast %eq3A_1178 : i32 to vector<8x1024xi32>
    %eq3A_1180 = arith.cmpi eq, %sub3A, %eq3A_1179 : vector<8x1024xi32>
    %jit3A_1181 = arith.constant 0.000000e+00 : f32
    %broadcast_in_dim3A_1182 = vector.broadcast %jit3A_1181 : f32 to vector<8x1024xf32>
    %select_n3A_1183 = arith.select %eq3A_1180, %get3A_1174, %broadcast_in_dim3A_1182 : vector<8x1024xi1>, vector<8x1024xf32>
    %add3A_1184 = arith.addf %add3A_1169, %select_n3A_1183 : vector<8x1024xf32>
    %get3A_1185 = arith.constant 0 : index
    %get3A_1186 = arith.constant 424 : index
    %get3A_1187 = arith.constant 0 : index
    %get3A_1188 = vector.load %arg2[%get3A_1185, %get3A_1186, %get3A_1187] : memref<1x512x1024xf32, #tpu.memory_space<vmem>>, vector<1x8x1024xf32>
    %get3A_1189 = vector.shape_cast %get3A_1188 : vector<1x8x1024xf32> to vector<8x1024xf32>
    %sub3A_1190 = arith.subf %get3A_1189, %broadcast_in_dim3A_388 : vector<8x1024xf32>
    %exp3A_1191 = math.exp %sub3A_1190 : vector<8x1024xf32>
    %add3A_1192 = arith.addf %add3A_1177, %exp3A_1191 : vector<8x1024xf32>
    %eq3A_1193 = arith.constant 424 : i32
    %eq3A_1194 = vector.broadcast %eq3A_1193 : i32 to vector<8x1024xi32>
    %eq3A_1195 = arith.cmpi eq, %sub3A, %eq3A_1194 : vector<8x1024xi32>
    %jit3A_1196 = arith.constant 0.000000e+00 : f32
    %broadcast_in_dim3A_1197 = vector.broadcast %jit3A_1196 : f32 to vector<8x1024xf32>
    %select_n3A_1198 = arith.select %eq3A_1195, %get3A_1189, %broadcast_in_dim3A_1197 : vector<8x1024xi1>, vector<8x1024xf32>
    %add3A_1199 = arith.addf %add3A_1184, %select_n3A_1198 : vector<8x1024xf32>
    %get3A_1200 = arith.constant 0 : index
    %get3A_1201 = arith.constant 432 : index
    %get3A_1202 = arith.constant 0 : index
    %get3A_1203 = vector.load %arg2[%get3A_1200, %get3A_1201, %get3A_1202] : memref<1x512x1024xf32, #tpu.memory_space<vmem>>, vector<1x8x1024xf32>
    %get3A_1204 = vector.shape_cast %get3A_1203 : vector<1x8x1024xf32> to vector<8x1024xf32>
    %sub3A_1205 = arith.subf %get3A_1204, %broadcast_in_dim3A_388 : vector<8x1024xf32>
    %exp3A_1206 = math.exp %sub3A_1205 : vector<8x1024xf32>
    %add3A_1207 = arith.addf %add3A_1192, %exp3A_1206 : vector<8x1024xf32>
    %eq3A_1208 = arith.constant 432 : i32
    %eq3A_1209 = vector.broadcast %eq3A_1208 : i32 to vector<8x1024xi32>
    %eq3A_1210 = arith.cmpi eq, %sub3A, %eq3A_1209 : vector<8x1024xi32>
    %jit3A_1211 = arith.constant 0.000000e+00 : f32
    %broadcast_in_dim3A_1212 = vector.broadcast %jit3A_1211 : f32 to vector<8x1024xf32>
    %select_n3A_1213 = arith.select %eq3A_1210, %get3A_1204, %broadcast_in_dim3A_1212 : vector<8x1024xi1>, vector<8x1024xf32>
    %add3A_1214 = arith.addf %add3A_1199, %select_n3A_1213 : vector<8x1024xf32>
    %get3A_1215 = arith.constant 0 : index
    %get3A_1216 = arith.constant 440 : index
    %get3A_1217 = arith.constant 0 : index
    %get3A_1218 = vector.load %arg2[%get3A_1215, %get3A_1216, %get3A_1217] : memref<1x512x1024xf32, #tpu.memory_space<vmem>>, vector<1x8x1024xf32>
    %get3A_1219 = vector.shape_cast %get3A_1218 : vector<1x8x1024xf32> to vector<8x1024xf32>
    %sub3A_1220 = arith.subf %get3A_1219, %broadcast_in_dim3A_388 : vector<8x1024xf32>
    %exp3A_1221 = math.exp %sub3A_1220 : vector<8x1024xf32>
    %add3A_1222 = arith.addf %add3A_1207, %exp3A_1221 : vector<8x1024xf32>
    %eq3A_1223 = arith.constant 440 : i32
    %eq3A_1224 = vector.broadcast %eq3A_1223 : i32 to vector<8x1024xi32>
    %eq3A_1225 = arith.cmpi eq, %sub3A, %eq3A_1224 : vector<8x1024xi32>
    %jit3A_1226 = arith.constant 0.000000e+00 : f32
    %broadcast_in_dim3A_1227 = vector.broadcast %jit3A_1226 : f32 to vector<8x1024xf32>
    %select_n3A_1228 = arith.select %eq3A_1225, %get3A_1219, %broadcast_in_dim3A_1227 : vector<8x1024xi1>, vector<8x1024xf32>
    %add3A_1229 = arith.addf %add3A_1214, %select_n3A_1228 : vector<8x1024xf32>
    %get3A_1230 = arith.constant 0 : index
    %get3A_1231 = arith.constant 448 : index
    %get3A_1232 = arith.constant 0 : index
    %get3A_1233 = vector.load %arg2[%get3A_1230, %get3A_1231, %get3A_1232] : memref<1x512x1024xf32, #tpu.memory_space<vmem>>, vector<1x8x1024xf32>
    %get3A_1234 = vector.shape_cast %get3A_1233 : vector<1x8x1024xf32> to vector<8x1024xf32>
    %sub3A_1235 = arith.subf %get3A_1234, %broadcast_in_dim3A_388 : vector<8x1024xf32>
    %exp3A_1236 = math.exp %sub3A_1235 : vector<8x1024xf32>
    %add3A_1237 = arith.addf %add3A_1222, %exp3A_1236 : vector<8x1024xf32>
    %eq3A_1238 = arith.constant 448 : i32
    %eq3A_1239 = vector.broadcast %eq3A_1238 : i32 to vector<8x1024xi32>
    %eq3A_1240 = arith.cmpi eq, %sub3A, %eq3A_1239 : vector<8x1024xi32>
    %jit3A_1241 = arith.constant 0.000000e+00 : f32
    %broadcast_in_dim3A_1242 = vector.broadcast %jit3A_1241 : f32 to vector<8x1024xf32>
    %select_n3A_1243 = arith.select %eq3A_1240, %get3A_1234, %broadcast_in_dim3A_1242 : vector<8x1024xi1>, vector<8x1024xf32>
    %add3A_1244 = arith.addf %add3A_1229, %select_n3A_1243 : vector<8x1024xf32>
    %get3A_1245 = arith.constant 0 : index
    %get3A_1246 = arith.constant 456 : index
    %get3A_1247 = arith.constant 0 : index
    %get3A_1248 = vector.load %arg2[%get3A_1245, %get3A_1246, %get3A_1247] : memref<1x512x1024xf32, #tpu.memory_space<vmem>>, vector<1x8x1024xf32>
    %get3A_1249 = vector.shape_cast %get3A_1248 : vector<1x8x1024xf32> to vector<8x1024xf32>
    %sub3A_1250 = arith.subf %get3A_1249, %broadcast_in_dim3A_388 : vector<8x1024xf32>
    %exp3A_1251 = math.exp %sub3A_1250 : vector<8x1024xf32>
    %add3A_1252 = arith.addf %add3A_1237, %exp3A_1251 : vector<8x1024xf32>
    %eq3A_1253 = arith.constant 456 : i32
    %eq3A_1254 = vector.broadcast %eq3A_1253 : i32 to vector<8x1024xi32>
    %eq3A_1255 = arith.cmpi eq, %sub3A, %eq3A_1254 : vector<8x1024xi32>
    %jit3A_1256 = arith.constant 0.000000e+00 : f32
    %broadcast_in_dim3A_1257 = vector.broadcast %jit3A_1256 : f32 to vector<8x1024xf32>
    %select_n3A_1258 = arith.select %eq3A_1255, %get3A_1249, %broadcast_in_dim3A_1257 : vector<8x1024xi1>, vector<8x1024xf32>
    %add3A_1259 = arith.addf %add3A_1244, %select_n3A_1258 : vector<8x1024xf32>
    %get3A_1260 = arith.constant 0 : index
    %get3A_1261 = arith.constant 464 : index
    %get3A_1262 = arith.constant 0 : index
    %get3A_1263 = vector.load %arg2[%get3A_1260, %get3A_1261, %get3A_1262] : memref<1x512x1024xf32, #tpu.memory_space<vmem>>, vector<1x8x1024xf32>
    %get3A_1264 = vector.shape_cast %get3A_1263 : vector<1x8x1024xf32> to vector<8x1024xf32>
    %sub3A_1265 = arith.subf %get3A_1264, %broadcast_in_dim3A_388 : vector<8x1024xf32>
    %exp3A_1266 = math.exp %sub3A_1265 : vector<8x1024xf32>
    %add3A_1267 = arith.addf %add3A_1252, %exp3A_1266 : vector<8x1024xf32>
    %eq3A_1268 = arith.constant 464 : i32
    %eq3A_1269 = vector.broadcast %eq3A_1268 : i32 to vector<8x1024xi32>
    %eq3A_1270 = arith.cmpi eq, %sub3A, %eq3A_1269 : vector<8x1024xi32>
    %jit3A_1271 = arith.constant 0.000000e+00 : f32
    %broadcast_in_dim3A_1272 = vector.broadcast %jit3A_1271 : f32 to vector<8x1024xf32>
    %select_n3A_1273 = arith.select %eq3A_1270, %get3A_1264, %broadcast_in_dim3A_1272 : vector<8x1024xi1>, vector<8x1024xf32>
    %add3A_1274 = arith.addf %add3A_1259, %select_n3A_1273 : vector<8x1024xf32>
    %get3A_1275 = arith.constant 0 : index
    %get3A_1276 = arith.constant 472 : index
    %get3A_1277 = arith.constant 0 : index
    %get3A_1278 = vector.load %arg2[%get3A_1275, %get3A_1276, %get3A_1277] : memref<1x512x1024xf32, #tpu.memory_space<vmem>>, vector<1x8x1024xf32>
    %get3A_1279 = vector.shape_cast %get3A_1278 : vector<1x8x1024xf32> to vector<8x1024xf32>
    %sub3A_1280 = arith.subf %get3A_1279, %broadcast_in_dim3A_388 : vector<8x1024xf32>
    %exp3A_1281 = math.exp %sub3A_1280 : vector<8x1024xf32>
    %add3A_1282 = arith.addf %add3A_1267, %exp3A_1281 : vector<8x1024xf32>
    %eq3A_1283 = arith.constant 472 : i32
    %eq3A_1284 = vector.broadcast %eq3A_1283 : i32 to vector<8x1024xi32>
    %eq3A_1285 = arith.cmpi eq, %sub3A, %eq3A_1284 : vector<8x1024xi32>
    %jit3A_1286 = arith.constant 0.000000e+00 : f32
    %broadcast_in_dim3A_1287 = vector.broadcast %jit3A_1286 : f32 to vector<8x1024xf32>
    %select_n3A_1288 = arith.select %eq3A_1285, %get3A_1279, %broadcast_in_dim3A_1287 : vector<8x1024xi1>, vector<8x1024xf32>
    %add3A_1289 = arith.addf %add3A_1274, %select_n3A_1288 : vector<8x1024xf32>
    %get3A_1290 = arith.constant 0 : index
    %get3A_1291 = arith.constant 480 : index
    %get3A_1292 = arith.constant 0 : index
    %get3A_1293 = vector.load %arg2[%get3A_1290, %get3A_1291, %get3A_1292] : memref<1x512x1024xf32, #tpu.memory_space<vmem>>, vector<1x8x1024xf32>
    %get3A_1294 = vector.shape_cast %get3A_1293 : vector<1x8x1024xf32> to vector<8x1024xf32>
    %sub3A_1295 = arith.subf %get3A_1294, %broadcast_in_dim3A_388 : vector<8x1024xf32>
    %exp3A_1296 = math.exp %sub3A_1295 : vector<8x1024xf32>
    %add3A_1297 = arith.addf %add3A_1282, %exp3A_1296 : vector<8x1024xf32>
    %eq3A_1298 = arith.constant 480 : i32
    %eq3A_1299 = vector.broadcast %eq3A_1298 : i32 to vector<8x1024xi32>
    %eq3A_1300 = arith.cmpi eq, %sub3A, %eq3A_1299 : vector<8x1024xi32>
    %jit3A_1301 = arith.constant 0.000000e+00 : f32
    %broadcast_in_dim3A_1302 = vector.broadcast %jit3A_1301 : f32 to vector<8x1024xf32>
    %select_n3A_1303 = arith.select %eq3A_1300, %get3A_1294, %broadcast_in_dim3A_1302 : vector<8x1024xi1>, vector<8x1024xf32>
    %add3A_1304 = arith.addf %add3A_1289, %select_n3A_1303 : vector<8x1024xf32>
    %get3A_1305 = arith.constant 0 : index
    %get3A_1306 = arith.constant 488 : index
    %get3A_1307 = arith.constant 0 : index
    %get3A_1308 = vector.load %arg2[%get3A_1305, %get3A_1306, %get3A_1307] : memref<1x512x1024xf32, #tpu.memory_space<vmem>>, vector<1x8x1024xf32>
    %get3A_1309 = vector.shape_cast %get3A_1308 : vector<1x8x1024xf32> to vector<8x1024xf32>
    %sub3A_1310 = arith.subf %get3A_1309, %broadcast_in_dim3A_388 : vector<8x1024xf32>
    %exp3A_1311 = math.exp %sub3A_1310 : vector<8x1024xf32>
    %add3A_1312 = arith.addf %add3A_1297, %exp3A_1311 : vector<8x1024xf32>
    %eq3A_1313 = arith.constant 488 : i32
    %eq3A_1314 = vector.broadcast %eq3A_1313 : i32 to vector<8x1024xi32>
    %eq3A_1315 = arith.cmpi eq, %sub3A, %eq3A_1314 : vector<8x1024xi32>
    %jit3A_1316 = arith.constant 0.000000e+00 : f32
    %broadcast_in_dim3A_1317 = vector.broadcast %jit3A_1316 : f32 to vector<8x1024xf32>
    %select_n3A_1318 = arith.select %eq3A_1315, %get3A_1309, %broadcast_in_dim3A_1317 : vector<8x1024xi1>, vector<8x1024xf32>
    %add3A_1319 = arith.addf %add3A_1304, %select_n3A_1318 : vector<8x1024xf32>
    %get3A_1320 = arith.constant 0 : index
    %get3A_1321 = arith.constant 496 : index
    %get3A_1322 = arith.constant 0 : index
    %get3A_1323 = vector.load %arg2[%get3A_1320, %get3A_1321, %get3A_1322] : memref<1x512x1024xf32, #tpu.memory_space<vmem>>, vector<1x8x1024xf32>
    %get3A_1324 = vector.shape_cast %get3A_1323 : vector<1x8x1024xf32> to vector<8x1024xf32>
    %sub3A_1325 = arith.subf %get3A_1324, %broadcast_in_dim3A_388 : vector<8x1024xf32>
    %exp3A_1326 = math.exp %sub3A_1325 : vector<8x1024xf32>
    %add3A_1327 = arith.addf %add3A_1312, %exp3A_1326 : vector<8x1024xf32>
    %eq3A_1328 = arith.constant 496 : i32
    %eq3A_1329 = vector.broadcast %eq3A_1328 : i32 to vector<8x1024xi32>
    %eq3A_1330 = arith.cmpi eq, %sub3A, %eq3A_1329 : vector<8x1024xi32>
    %jit3A_1331 = arith.constant 0.000000e+00 : f32
    %broadcast_in_dim3A_1332 = vector.broadcast %jit3A_1331 : f32 to vector<8x1024xf32>
    %select_n3A_1333 = arith.select %eq3A_1330, %get3A_1324, %broadcast_in_dim3A_1332 : vector<8x1024xi1>, vector<8x1024xf32>
    %add3A_1334 = arith.addf %add3A_1319, %select_n3A_1333 : vector<8x1024xf32>
    %get3A_1335 = arith.constant 0 : index
    %get3A_1336 = arith.constant 504 : index
    %get3A_1337 = arith.constant 0 : index
    %get3A_1338 = vector.load %arg2[%get3A_1335, %get3A_1336, %get3A_1337] : memref<1x512x1024xf32, #tpu.memory_space<vmem>>, vector<1x8x1024xf32>
    %get3A_1339 = vector.shape_cast %get3A_1338 : vector<1x8x1024xf32> to vector<8x1024xf32>
    %sub3A_1340 = arith.subf %get3A_1339, %broadcast_in_dim3A_388 : vector<8x1024xf32>
    %exp3A_1341 = math.exp %sub3A_1340 : vector<8x1024xf32>
    %add3A_1342 = arith.addf %add3A_1327, %exp3A_1341 : vector<8x1024xf32>
    %eq3A_1343 = arith.constant 504 : i32
    %eq3A_1344 = vector.broadcast %eq3A_1343 : i32 to vector<8x1024xi32>
    %eq3A_1345 = arith.cmpi eq, %sub3A, %eq3A_1344 : vector<8x1024xi32>
    %jit3A_1346 = arith.constant 0.000000e+00 : f32
    %broadcast_in_dim3A_1347 = vector.broadcast %jit3A_1346 : f32 to vector<8x1024xf32>
    %select_n3A_1348 = arith.select %eq3A_1345, %get3A_1339, %broadcast_in_dim3A_1347 : vector<8x1024xi1>, vector<8x1024xf32>
    %add3A_1349 = arith.addf %add3A_1334, %select_n3A_1348 : vector<8x1024xf32>
    %reduce_sum3A = arith.constant dense<0.000000e+00> : vector<1024xf32>
    %reduce_sum3A_1350 = vector.multi_reduction <add>, %add3A_1342, %reduce_sum3A [0] : vector<8x1024xf32> to vector<1024xf32>
    %broadcast_in_dim3A_1351 = vector.shape_cast %reduce_sum3A_1350 : vector<1024xf32> to vector<1x1024xf32>
    %reduce_sum3A_1352 = arith.constant dense<0.000000e+00> : vector<1024xf32>
    %reduce_sum3A_1353 = vector.multi_reduction <add>, %add3A_1349, %reduce_sum3A_1352 [0] : vector<8x1024xf32> to vector<1024xf32>
    %broadcast_in_dim3A_1354 = vector.shape_cast %reduce_sum3A_1353 : vector<1024xf32> to vector<1x1024xf32>
    %log3A = math.log %broadcast_in_dim3A_1351 : vector<1x1024xf32>
    %add3A_1355 = arith.addf %broadcast_in_dim3A, %log3A : vector<1x1024xf32>
    %sub3A_1356 = arith.subf %broadcast_in_dim3A_1354, %add3A_1355 : vector<1x1024xf32>
    %exp3A_1357 = math.exp %sub3A_1356 : vector<1x1024xf32>
    %sub3A_1358 = arith.constant 1.000000e+00 : f32
    %sub3A_1359 = vector.broadcast %sub3A_1358 : f32 to vector<1x1024xf32>
    %sub3A_1360 = arith.subf %exp3A_1357, %sub3A_1359 : vector<1x1024xf32>
    %abs3A = math.absf %sub3A_1360 : vector<1x1024xf32>
    %sub3A_1361 = arith.subf %add3A_1355, %broadcast_in_dim3A_1354 : vector<1x1024xf32>
    %swap3A = arith.constant 0 : index
    %swap3A_1362 = arith.constant 0 : index
    %swap3A_1363 = arith.constant 0 : index
    %swap3A_1364 = arith.constant 0 : index
    %swap3A_1365 = vector.load %arg4[%swap3A, %swap3A_1362, %swap3A_1363, %swap3A_1364] : memref<1x1x1x1024xf32, #tpu.memory_space<vmem>>, vector<1x1x1x1024xf32>
    %swap3A_1366 = vector.shape_cast %swap3A_1365 : vector<1x1x1x1024xf32> to vector<1x1024xf32>
    %swap3A_1367 = vector.shape_cast %sub3A_1361 : vector<1x1024xf32> to vector<1x1x1x1024xf32>
    tpu.vector_store %arg4[%swap3A, %swap3A_1362, %swap3A_1363, %swap3A_1364], %swap3A_1367 {strides = array<i32>} : memref<1x1x1x1024xf32, #tpu.memory_space<vmem>>, vector<1x1x1x1024xf32>,
    %mul3A = arith.constant 1.000000e+01 : f32
    %mul3A_1368 = vector.broadcast %mul3A : f32 to vector<1x1024xf32>
    %mul3A_1369 = arith.mulf %abs3A, %mul3A_1368 : vector<1x1024xf32>
    %floor3A = math.floor %mul3A_1369 : vector<1x1024xf32>
    %convert_element_type3A = arith.fptosi %floor3A : vector<1x1024xf32> to vector<1x1024xi32>
    %jit3A_1370 = arith.constant 0 : i32
    %jit3A_1371 = arith.constant 9 : i32
    %max3A_1372 = vector.broadcast %jit3A_1370 : i32 to vector<1x1024xi32>
    %max3A_1373 = arith.maxsi %max3A_1372, %convert_element_type3A : vector<1x1024xi32>
    %min3A = vector.broadcast %jit3A_1371 : i32 to vector<1x1024xi32>
    %min3A_1374 = arith.minsi %min3A, %max3A_1373 : vector<1x1024xi32>
    %swap3A_1375 = arith.constant 0 : index
    %swap3A_1376 = arith.constant 0 : index
    %swap3A_1377 = arith.constant 0 : index
    %swap3A_1378 = arith.constant 0 : index
    %swap3A_1379 = vector.load %arg5[%swap3A_1375, %swap3A_1376, %swap3A_1377, %swap3A_1378] : memref<1x1x1x1024xi32, #tpu.memory_space<vmem>>, vector<1x1x1x1024xi32>
    %swap3A_1380 = vector.shape_cast %swap3A_1379 : vector<1x1x1x1024xi32> to vector<1x1024xi32>
    %swap3A_1381 = vector.shape_cast %min3A_1374 : vector<1x1024xi32> to vector<1x1x1x1024xi32>
    tpu.vector_store %arg5[%swap3A_1375, %swap3A_1376, %swap3A_1377, %swap3A_1378], %swap3A_1381 {strides = array<i32>} : memref<1x1x1x1024xi32, #tpu.memory_space<vmem>>, vector<1x1x1x1024xi32>,
    return
  }
  func.func @transform_0(%arg0: i32, %arg1: i32) -> (i32, i32, i32) {
    %c0_i32 = arith.constant 0 : i32
    %c0_i32_0 = arith.constant 0 : i32
    return %arg0, %c0_i32, %arg1 : i32, i32, i32
  }
  func.func @transform_1(%arg0: i32, %arg1: i32) -> (i32, i32, i32) {
    %c0_i32 = arith.constant 0 : i32
    %c0_i32_0 = arith.constant 0 : i32
    return %arg0, %c0_i32, %arg1 : i32, i32, i32
  }
  func.func @transform_2(%arg0: i32, %arg1: i32) -> (i32, i32, i32, i32) {
    %c0_i32 = arith.constant 0 : i32
    %c0_i32_0 = arith.constant 0 : i32
    %c0_i32_1 = arith.constant 0 : i32
    return %arg0, %arg1, %c0_i32, %c0_i32_0 : i32, i32, i32, i32
  }
  func.func @transform_3(%arg0: i32, %arg1: i32) -> (i32, i32, i32, i32) {
    %c0_i32 = arith.constant 0 : i32
    %c0_i32_0 = arith.constant 0 : i32
    %c0_i32_1 = arith.constant 0 : i32
    return %arg0, %arg1, %c0_i32, %c0_i32_0 : i32, i32, i32, i32
  }
}

</mosaic_0001>

<sc_bundles>
// kernel: kernel.4.cloned.1.call-start
scs
__scs_entry_jumppad:
0x0: {  	(pc) =	sbr.rel $0x88, $3  }
0x1: {  	(tag) =	ssettag $0x0;
	lr =	simm.s32 $0x1  }
0x2: {  	[smem:$0x3F9D] =	sst lr;
	_ =	strace $0xD0000000  }
0x3: {  	_ = 	snop  }
0x4: {  	_ = 	snop  }
0x5: {  	_ = 	snop  }
0x6: {  	_ = 	snop  }
0x7: {  	_ = 	snop  }
__scs_overlays_trampoline_lowered:
0x8: {  	[smem:$0x3FAC] =	sst s0  }
0x9: {  	[smem:$0x3FAD] =	sst s1  }
0xa: {  	[smem:$0x3FAE] =	sst s2  }
0xb: {  	[smem:$0x3FAF] =	sst s3  }
0xc: {  	[smem:$0x3FB0] =	sst s4  }
0xd: {  	[smem:$0x3FB1] =	sst s5  }
0xe: {  	[smem:$0x3FB2] =	sst s6  }
0xf: {  	[smem:$0x3FB3] =	sst s7  }
0x10: {  	[smem:$0x3FB4] =	sst s8  }
0x11: {  	[smem:$0x3FB5] =	sst s9;
	s0 =	simm.s32 @!p0 $0x0  }
0x12: {  	s1 =	sld [smem:$0x3F9B];
	s0 =	simm.s32 @p0 $0x1  }
0x13: {  	[smem:$0x3FB6] =	sst s0;
	s0 =	simm.s32 @!p1 $0x0  }
0x14: {  	s2 =	sld [smem:$0x3F9A];
	s0 =	simm.s32 @p1 $0x1  }
0x15: {  	[smem:$0x3FB7] =	sst s0;
	s0 =	simm.s32 @!p2 $0x0  }
0x16: {  	s3 =	sld [smem:$0x3FDB];
	s0 =	simm.s32 @p2 $0x1  }
0x17: {  	s4 =	simm.s32 $0x1BF5;
	[smem:$0x3FB9] =	sst s0  }
0x18: {  	s0 =	sld [smem:$0x3F9C];
	_ =	swait.ge [sflag:s4], $0x0  }
0x19: {  	s7 =	sld [smem:$0x3F9D]  }
0x1a: {  	s8 =	sadd.s32 $0xFFFFE003, lr  }
0x1b: {  	s9 =	sadd.s32 $0xFFFFFEF7, lr;
	s5 =	simm.s32 $0xFFFFFFFF;
	p2 =	slt.u32 s8, $0xFFFFF086  }
0x1c: {  	p1 =	slt.u32 s9, $0xF7A;
	s5 =	simm.s32 @!p2 $0x0  }
0x1d: {  	s5 =	simm.s32 @p1 $0x1;
	p0 =	seq.s32 s7, s2  }
0x1e: {  	s7 =	smul.u32 @!p0 $0xF7A, s2;
	p2 =	seq.s32 @!p0 s5, $0x0  }
0x1f: {  	s9 =	smul.u32 $0xF7A, s1;
	s8 =	simm.s32 @!p0 $0x1BF5;
	p2 =	por !p2, p0  }
0x20: {  	[sflag:s8] =	ssyncset.s32 @!p0 $0xFFFFF086;
	s6 =	sadd.s32 @!p0 s3, s7;
	s7 =	simm.s32 @!p0 $0x108  }
0x21: {  	s3 =	sadd.s32 s3, s9;
	s6 =	sadd.s32 @!p0 $0x88, s6;
	s7 =	simm.s32 @p2 $0x1082  }
0x22: {  	[simem:s7], [sflag:s8] =	dma.local @!p0 [hbm:s6], $0xF7A  }
0x23: {  	s9 =	sor.u32 $0xD0000000, s2;
	s6 =	simm.s32 $0x108;
	_ =	swait.ge @!p0 [sflag:s8], $0x0  }
0x24: {  	s3 =	sadd.s32 $0x88, s3;
	s6 =	simm.s32 @!p1 $0x1082;
	[sflag:s4] =	ssyncset.s32 $0xFFFFF086  }
0x25: {  	[simem:s6], [sflag:s4] =	dma.local [hbm:s3], $0xF7A  }
0x26: {  	[smem:$0x3F9D] =	sst s1;
	(tag) =	ssettag s2;
	_ =	strace s9  }
0x27: {  	s1 =	sld [smem:$0x3FAD]  }
0x28: {  	s2 =	sld [smem:$0x3FAE]  }
0x29: {  	s4 =	sld [smem:$0x3FB0]  }
0x2a: {  	p0 =	seq.s32 s5, $0x0;
	s5 =	sld [smem:$0x3FB1]  }
0x2b: {  	s6 =	sld [smem:$0x3FB2]  }
0x2c: {  	s7 =	sld [smem:$0x3FB3]  }
0x2d: {  	s3 =	simm.s32 $0x108;
	s8 =	sld [smem:$0x3FB4]  }
0x2e: {  	s3 =	simm.s32 @!p0 $0x1082;
	s9 =	sld [smem:$0x3FB5]  }
0x2f: {  	lr =	sadd.s32 s0, s3;
	s0 =	sld [smem:$0x3FAC]  }
0x30: {  	s3 =	sld [smem:$0x3FAF]  }
0x31: {  	[smem:$0x3FB8] =	sst s10  }
0x32: {  	s10 =	sld [smem:$0x3FB6];
	_ =	sdelay $0x3  }
0x33: {  	p0 =	seq.s32 s10, $0x1;
	s10 =	sld [smem:$0x3FB8];
	_ =	sdelay $0x3  }
0x34: {  	[smem:$0x3FB8] =	sst s10  }
0x35: {  	s10 =	sld [smem:$0x3FB7];
	_ =	sdelay $0x3  }
0x36: {  	p1 =	seq.s32 s10, $0x1;
	s10 =	sld [smem:$0x3FB8];
	_ =	sdelay $0x3  }
0x37: {  	[smem:$0x3FB8] =	sst s10  }
0x38: {  	s10 =	sld [smem:$0x3FB9]  }
0x39: {  	_ = 	snop;
	(pc) =	sbr.ind lr, $3  }
0x3a: {  	_ = 	snop  }
0x3b: {  	_ = 	snop  }
0x3c: {  	p2 =	seq.s32 s10, $0x1;
	s10 =	sld [smem:$0x3FB8]  }
0x3d: {  	_ =	shalt  }
0x3e: {  	_ =	shalt  }
0x3f: {  	_ =	shalt  }
0x40: {  	_ =	shalt  }
0x41: {  	_ =	shalt  }
0x42: {  	_ =	shalt  }
0x43: {  	_ =	shalt  }
0x44: {  	_ =	shalt  }
0x45: {  	_ =	shalt  }
0x46: {  	_ =	shalt  }
0x47: {  	_ =	shalt  }
0x48: {  	_ =	shalt  }
0x49: {  	_ =	shalt  }
0x4a: {  	_ =	shalt  }
0x4b: {  	_ =	shalt  }
0x4c: {  	_ =	shalt  }
0x4d: {  	_ =	shalt  }
0x4e: {  	_ =	shalt  }
0x4f: {  	_ =	shalt  }
0x50: {  	_ =	shalt  }
0x51: {  	_ =	shalt  }
0x52: {  	_ =	shalt  }
0x53: {  	_ =	shalt  }
0x54: {  	_ =	shalt  }
0x55: {  	_ =	shalt  }
0x56: {  	_ =	shalt  }
0x57: {  	_ =	shalt  }
0x58: {  	_ =	shalt  }
0x59: {  	_ =	shalt  }
0x5a: {  	_ =	shalt  }
0x5b: {  	_ =	shalt  }
0x5c: {  	_ =	shalt  }
0x5d: {  	_ =	shalt  }
0x5e: {  	_ =	shalt  }
0x5f: {  	_ =	shalt  }
0x60: {  	_ =	shalt  }
0x61: {  	_ =	shalt  }
0x62: {  	_ =	shalt  }
0x63: {  	_ =	shalt  }
0x64: {  	_ =	shalt  }
0x65: {  	_ =	shalt  }
0x66: {  	_ =	shalt  }
0x67: {  	_ =	shalt  }
0x68: {  	_ =	shalt  }
0x69: {  	_ =	shalt  }
0x6a: {  	_ =	shalt  }
0x6b: {  	_ =	shalt  }
0x6c: {  	_ =	shalt  }
0x6d: {  	_ =	shalt  }
0x6e: {  	_ =	shalt  }
0x6f: {  	_ =	shalt  }
0x70: {  	_ =	shalt  }
0x71: {  	_ =	shalt  }
0x72: {  	_ =	shalt  }
0x73: {  	_ =	shalt  }
0x74: {  	_ =	shalt  }
0x75: {  	_ =	shalt  }
0x76: {  	_ =	shalt  }
0x77: {  	_ =	shalt  }
0x78: {  	_ =	shalt  }
0x79: {  	_ =	shalt  }
0x7a: {  	_ =	shalt  }
0x7b: {  	_ =	shalt  }
0x7c: {  	_ =	shalt  }
0x7d: {  	_ =	shalt  }
0x7e: {  	_ =	shalt  }
0x7f: {  	_ =	shalt  }
0x80: {  	_ =	shalt  }
0x81: {  	_ =	shalt  }
0x82: {  	_ =	shalt  }
0x83: {  	_ =	shalt  }
0x84: {  	_ =	shalt  }
0x85: {  	_ =	shalt  }
0x86: {  	_ =	shalt  }
0x87: {  	_ =	shalt  }
.Lfunc_end0:
.L_simem_size_0:
called_computation_lowered:
.L_overlay_start_0:
0x88: {  	s2 =	sld [smem:$0x3FD9]  }
0x89: {  	s3 =	sld [smem:$0x3FFE];
	_ =	sdelay $0x1  }
0x8a: {  	s1 =	srdreg.scid  }
0x8b: {  	s0 =	sand.u32 $0x1, s1  }
0x8c: {  	s17 =	sshll.u32 s0, $0xA;
	s2 =	sadd.s32 s3, s2  }
0x8d: {  	s2 =	sadd.s32 s2, s17  }
0x8e: {  	[smem:$0x3FC4] =	sst s2  }
0x8f: {  	_ = 	snop  }
0x90: {  	s2 =	sld [smem:$0x3FC6]  }
0x91: {  	s18 =	sld [smem:$0x3FD0];
	(tm) =	ssettm $0x1  }
0x92: {  	s4 =	sld [smem:$0x3FFB];
	_ =	sdelay $0x3  }
0x93: {  	_ =	strace s4  }
0x94: {  	s4 =	sld [smem:$0x3FFC];
	_ =	sdelay $0x3  }
0x95: {  	_ =	strace s4  }
0x96: {  	s4 =	sld [smem:$0x3FFD];
	_ =	sdelay $0x3  }
0x97: {  	_ =	strace s4  }
0x98: {  	_ =	strace $0x8FFFFFFF  }
0x99: {  	s19 =	sld [smem:$0x3FDB];
	_ =	sdelay $0x1  }
0x9a: {  	s5 =	simm.s32 $_scs_section_size  }
0x9b: {  	s6 =	simm.s32 $_size__tile_overlayer_lowered;
	s7 =	simm.s32 $_tile_overlayer_lowered  }
0x9c: {  	s22 =	simm.s32 $0x1BFF;
	s21 =	sshll.u32 s7, $0x1;
	s4 =	sadd.s32 s5, s19  }
0x9d: {  	s8 =	simm.s32 $0x0;
	s20 =	sshll.u32 s6, $0x1;
	s6 =	sadd.s32 s21, s4  }
0x9e: {  	[timem:s8], [sflag:s22] =	dma.local [hbm:s6], s20  }
0x9f: {  	_ =	swait.ge [sflag:s22], s20  }
0xa0: {  	s5 =	ssub.s32 $0x0, s20;
	[sflag:s22] =	ssyncset.done $0x0  }
0xa1: {  	[sflag:s22] =	ssyncadd.s32 s5;
	_ =	sdelay $0x1  }
0xa2: {  	s23 =	simm.s32 $0x1B8B  }
0xa3: {  	_ =	swait.ge [sflag:s23], $0x1  }
0xa4: {  	[sflag:s23] =	ssyncset.done $0x0  }
0xa5: {  	s25 =	simm.s32 $0x1B8E;
	s24 =	sld [smem:$0x3FFE];
	[sflag:s23] =	ssyncadd.s32 $0xFFFFFFFF  }
0xa6: {  	s26 =	simm.s32 $execute0_lowered;
	[smem:$0x3FD2] =	sst s25  }
0xa7: {  	s6 =	sshll.u32 s26, $0x1;
	_ =	strace $0x80000046;
	[dreg:$0x1] =	wrdreg $0xFFFFFFFF  }
0xa8: {  	s28 =	simm.s32 $_size_execute0_lowered;
	s4 =	sadd.s32 s4, s6;
	[dreg:$0x0] =	wrdreg $0x0  }
0xa9: {  	s6 =	sshll.u32 s28, $0x1;
	[dreg:$0x2] =	wrdreg s4  }
0xaa: {  	[dreg:$0x3] =	wrdreg s6  }
0xab: {  	[dreg:$0x4] =	wrdreg $0xC0  }
0xac: {  	_ =	task [dreg:s8], $0x5FFFF  }
0xad: {  	[dreg:$0x1] =	wrdreg $0xFFFFFFFF  }
0xae: {  	[dreg:$0x0] =	wrdreg $0x60  }
0xaf: {  	[dreg:$0x2] =	wrdreg s24  }
0xb0: {  	[dreg:$0x3] =	wrdreg s2  }
0xb1: {  	[dreg:$0x4] =	wrdreg s18  }
0xb2: {  	[dreg:$0x5] =	wrdreg $0x9  }
0xb3: {  	_ =	task.clear_ibuf [dreg:s8], $0x6FFFF;
	_ =	strace $0x90000046  }
0xb4: {  	s29 =	simm.s32 $0x9;
	_ =	strace $0x80000048  }
0xb5: {  	_ =	swait.ge [sflag:s29], $0x1  }
0xb6: {  	[sflag:s29] =	ssyncadd.s32 $0xFFFFFFFF  }
0xb7: {  	_ =	strace $0x90000048  }
0xb8: {  	_ =	sfence  }
0xb9: {  	s30 =	sld [smem:$0x0];
	_ =	sdelay $0x2  }
0xba: {  	s31 =	sshll.u32 s1, $0xD;
	s1 =	sshrl.u32 s1, $0x2  }
0xbb: {  	s3 =	sand.u32 $0x4000, s31;
	s1 =	sadd.s32 s1, s30  }
0xbc: {  	s0 =	sor.u32 s3, s0;
	s1 =	sshll.u32 s1, $0x11  }
0xbd: {  	s0 =	sor.u32 s1, s0  }
0xbe: {  	s0 =	sadd.s32 $0x8F2B, s0  }
0xbf: {  	[sflag:s0] =	ssyncadd.remote.s32 $0x1  }
0xc0: {  	_ =	sfence.sel $0xFFFF  }
0xc1: {  	[dreg:$0x0] =	wrdreg $0xFFFFFFFF;
	(pc) =	sbr.abs _section_cstart, $3  }
0xc2: {  	[dreg:$0x1] =	wrdreg $0xFFFFFFFF  }
0xc3: {  	_ =	task.clear_ibuf [dreg:s8], $0x2FFFF;
	_ =	strace $0x9FFFFFFF  }
0xc4: {  	(tm) =	ssettm $0x7FFFFFFF  }
0xc5: {  	_ =	shalt  }
tec
execute0_lowered:
.L_overlay_start_1:
0x0: {  	(tag) =	ssettag $0x1  }
0x1: {  	s5 =	rddreg [dreg:$0x0]  }
0x2: {  	s1 =	rddreg [dreg:$0x1]  }
0x3: {  	s3 =	rddreg [dreg:$0x2]  }
0x4: {  	s0 =	rddreg [dreg:$0x3]  }
0x5: {  	s4 =	simm.s32 $0x0;
	s6 =	srdreg.scid;
	s2 =	stileid.u32  }
0x6: {  	s11 =	simm.s32 $0x800;
	s12 =	simm.s32 $0x1000;
	s13 =	simm.s32 $0x1800  }
0x7: {  	s14 =	simm.s32 $0x1A00;
	s15 =	simm.s32 $0x1A80;
	s16 =	simm.s32 $0x0  }
0x8: {  	[smem:$0x7FF] =	sst s4;
	s6 =	sand.u32 $0x1, s6;
	s7 =	sshll.u32 s2, $0x1  }
0x9: {  	_ =	strace $0x80000047;
	s7 =	sor.u32 s6, s7;
	s6 =	ssub.s32 $0x2, s6  }
0xa: {  	s8 =	sshll.u32 s7, $0x8;
	s7 =	sshll.u32 s7, $0x4;
	s9 =	sshrl.u32 s6, $0x1  }
0xb: {  	s8 =	sadd.s32 s8, s5;
	s10 =	sadd.s32 s7, s5;
	s9 =	ssub.s32 s6, s9  }
0xc: {  	s5 =	sadd.s32 $0x2800, s8;
	s6 =	sadd.s32 $0x800, s8;
	s7 =	sadd.s32 $0x4800, s8  }
0xd: {  	s8 =	sadd.s32 $0x6800, s10;
	s9 =	smax.u32 s9, $0x1;
	s10 =	simm.s32 $0x1  }
.LBB2_1:
0xe: {  	[tilespmem:s4], [sflag:$0x1] =	stream.linear.gather [hbm4b:s5+s4], $0x800, $0x38;
	[tilespmem:$0x1B00] =	vst v63  }
0xf: {  	_ =	swait.ge [sflag:s10], $0x800  }
0x10: {  	[sflag:s10] =	ssyncset.done $0x0  }
0x11: {  	[sflag:s10] =	ssyncadd.s32 $0xFFFFF800  }
0x12: {  	[tilespmem:s11], [sflag:$0x1] =	stream.linear.gather [hbm4b:s6+s4], $0x800, $0x38;
	[tilespmem:$0x1B00] =	vst v63  }
0x13: {  	_ =	swait.ge [sflag:s10], $0x800  }
0x14: {  	[sflag:s10] =	ssyncset.done $0x0  }
0x15: {  	[sflag:s10] =	ssyncadd.s32 $0xFFFFF800  }
0x16: {  	[tilespmem:s12], [sflag:$0x1] =	stream.linear.gather [hbm4b:s7+s4], $0x800, $0x38;
	[tilespmem:$0x1B00] =	vst v63  }
0x17: {  	_ =	swait.ge [sflag:s10], $0x800  }
0x18: {  	[sflag:s10] =	ssyncset.done $0x0  }
0x19: {  	[sflag:s10] =	ssyncadd.s32 $0xFFFFF800  }
0x1a: {  	[tilespmem:s13], [sflag:$0x1] =	stream.linear.gather [hbm4b:s1+s4], $0x200, $0x38;
	[tilespmem:$0x1B00] =	vst v63  }
0x1b: {  	_ =	swait.ge [sflag:s10], $0x200  }
0x1c: {  	[sflag:s10] =	ssyncset.done $0x0  }
0x1d: {  	[sflag:s10] =	ssyncadd.s32 $0xFFFFFE00  }
0x1e: {  	[tilespmem:s14], [sflag:$0x1] =	stream.linear.gather [hbm4b:s3+s4], $0x80, $0x38;
	[tilespmem:$0x1B00] =	vst v63  }
0x1f: {  	_ =	swait.ge [sflag:s10], $0x80  }
0x20: {  	[sflag:s10] =	ssyncset.done $0x0  }
0x21: {  	s22 =	simm.s32 $0x0;
	[sflag:s10] =	ssyncadd.s32 $0xFFFFFF80  }
0x22: {  	v0 =	vld [tilespmem:s22+$0x800]  }
0x23: {  	v1 =	vld [tilespmem:s22+$0x1000];
	_ =	sdelay $0x3  }
0x24: {  	s17 =	simm.s32 $0x10  }
0x25: {  	v2 =	vld [tilespmem:s17+$0x800]  }
0x26: {  	v3 =	vld [tilespmem:s17+$0x1000]  }
0x27: {  	v0 =	vld.idx.msk [tilespmem:v0+s13+$0x0], $0xffff  }
0x28: {  	v1 =	vld.idx.msk [tilespmem:v1+s14+$0x0], $0xffff;
	_ =	sdelay $0x3  }
0x29: {  	s18 =	simm.s32 $0x20  }
0x2a: {  	v4 =	vld [tilespmem:s18+$0x800];
	v0 =	vmul.f32 v1, v0  }
0x2b: {  	v2 =	vld.idx.msk [tilespmem:v2+s13+$0x0], $0xffff  }
0x2c: {  	v1 =	vld [tilespmem:s18+$0x1000];
	v5 =	vshra.s32 v0, $0x1;
	v6 =	vmul.f32 $5.000000000e-01, v0  }
0x2d: {  	v0 =	vld.idx.msk [tilespmem:v3+s14+$0x0], $0xffff;
	v3 =	vsub.s32 $0x5F3759DF, v5  }
0x2e: {  	v5 =	vmul.f32 v3, v6;
	_ =	sdelay $0x1  }
0x2f: {  	s19 =	simm.s32 $0x30;
	v5 =	vmul.f32 v3, v5  }
0x30: {  	v7 =	vld [tilespmem:s19+$0x800]  }
0x31: {  	v8 =	vld [tilespmem:s19+$0x1000];
	v0 =	vmul.f32 v0, v2;
	v2 =	vsub.f32 $1.500000000e+00, v5  }
0x32: {  	v4 =	vld.idx.msk [tilespmem:v4+s13+$0x0], $0xffff  }
0x33: {  	v1 =	vld.idx.msk [tilespmem:v1+s14+$0x0], $0xffff;
	v5 =	vshra.s32 v0, $0x1;
	v0 =	vmul.f32 $5.000000000e-01, v0;
	v2 =	vmul.f32 v3, v2  }
0x34: {  	v3 =	vsub.s32 $0x5F3759DF, v5  }
0x35: {  	v5 =	vmul.f32 v3, v0;
	v9 =	vmul.f32 v2, v6;
	_ =	sdelay $0x1  }
0x36: {  	s20 =	simm.s32 $0x40;
	v5 =	vmul.f32 v3, v5;
	v9 =	vmul.f32 v9, v2  }
0x37: {  	v11 =	vld [tilespmem:s20+$0x800];
	v1 =	vmul.f32 v1, v4  }
0x38: {  	v13 =	vld [tilespmem:s20+$0x1000];
	v5 =	vsub.f32 $1.500000000e+00, v5;
	v9 =	vsub.f32 $1.500000000e+00, v9  }
0x39: {  	v7 =	vld.idx.msk [tilespmem:v7+s13+$0x0], $0xffff;
	v10 =	vshra.s32 v1, $0x1;
	v4 =	vmul.f32 $5.000000000e-01, v1  }
0x3a: {  	v1 =	vld.idx.msk [tilespmem:v8+s14+$0x0], $0xffff;
	v15 =	vsub.s32 $0x5F3759DF, v10;
	v5 =	vmul.f32 v3, v5;
	v3 =	vmul.f32 v9, v2  }
0x3b: {  	v2 =	vmul.f32 v15, v4  }
0x3c: {  	s21 =	simm.s32 $0x50;
	v8 =	vmul.f32 v5, v0;
	v6 =	vmul.f32 v3, v6  }
0x3d: {  	v12 =	vld [tilespmem:s21+$0x1000];
	v9 =	vmul.f32 v15, v2  }
0x3e: {  	v10 =	vld [tilespmem:s21+$0x800];
	v14 =	vmul.f32 v8, v5;
	v6 =	vmul.f32 v6, v3  }
0x3f: {  	v2 =	vld [tilespmem:s22+$0x0];
	v16 =	vmul.f32 v1, v7;
	v17 =	vsub.f32 $1.500000000e+00, v9  }
0x40: {  	v1 =	vimm.f32 $0.0e+00;
	v8 =	vld.idx.msk [tilespmem:v11+s13+$0x0], $0xffff;
	v9 =	vsub.f32 $1.500000000e+00, v14;
	v7 =	vsub.f32 $1.500000000e+00, v6  }
0x41: {  	s22 =	simm.s32 $0x180;
	v11 =	vld.idx.msk [tilespmem:v13+s14+$0x0], $0xffff;
	v14 =	vshra.s32 v16, $0x1;
	v6 =	vmul.f32 $5.000000000e-01, v16;
	v13 =	vmul.f32 v15, v17  }
.LBB2_2:
0x42: {  	p0 =	sne.s32 s22, $0x1FC0;
	v15 =	vsub.s32 $0x5F3759DF, v14;
	v7 =	vmul.f32 v7, v3;
	v3 =	vmul.f32 v9, v5  }
0x43: {  	v9 =	vmul.f32 v15, v6;
	v14 =	vmov v10;
	v5 =	vmov v13  }
0x44: {  	v13 =	vmul.f32 v5, v4;
	v16 =	vmul.f32 v3, v0;
	v7 =	vmin.f32 v7, $1.000000000e+10;
	v17 =	vmovc v12;
	v0 =	vmovc v4  }
.Ltmp0:
0x45: {  	s23 =	sshra.s32 s22, $0x2;
	v4 =	vmov v6;
	v9 =	vmul.f32 v15, v9;
	v7 =	vmul.f32 v7, v2;
	v2 =	vld [tilespmem:s17+$0x0];
	s17 =	smov.u32 s18;
	(pc) =	sbr.rel @p0 .LBB2_2-.Ltmp0, $4  }
0x46: {  	s18 =	smov.u32 s19;
	s19 =	smov.u32 s20;
	s20 =	smov.u32 s21;
	v10 =	vld [tilespmem:s23+$0x800];
	v6 =	vmul.f32 v13, v5;
	v13 =	vmul.f32 v16, v3  }
0x47: {  	s21 =	smov.u32 s23;
	v16 =	vmul.f32 v11, v8;
	v12 =	vld [tilespmem:s23+$0x1000];
	v18 =	vsub.f32 $1.500000000e+00, v9;
	v1 =	vadd.f32 v7, v1  }
0x48: {  	v8 =	vld.idx.msk [tilespmem:v14+s13+$0x0], $0xffff;
	v9 =	vsub.f32 $1.500000000e+00, v6;
	v7 =	vsub.f32 $1.500000000e+00, v13  }
0x49: {  	s22 =	sadd.s32 $0x40, s22;
	v14 =	vshra.s32 v16, $0x1;
	v6 =	vmul.f32 $5.000000000e-01, v16;
	v11 =	vld.idx.msk [tilespmem:v17+s14+$0x0], $0xffff;
	v13 =	vmul.f32 v15, v18  }
0x4a: {  	_ =	sdelay $0x4  }
0x4b: {  	v10 =	vld.idx.msk [tilespmem:v10+s13+$0x0], $0xffff  }
0x4c: {  	v12 =	vld.idx.msk [tilespmem:v12+s14+$0x0], $0xffff;
	_ =	sdelay $0x2  }
0x4d: {  	v14 =	vsub.s32 $0x5F3759DF, v14;
	v8 =	vmul.f32 v11, v8  }
0x4e: {  	v15 =	vmul.f32 v14, v6  }
0x4f: {  	v30 =	vshra.s32 v8, $0x1;
	v8 =	vmul.f32 $5.000000000e-01, v8;
	v10 =	vmul.f32 v12, v10  }
0x50: {  	v29 =	vmul.f32 v14, v15;
	v31 =	vsub.s32 $0x5F3759DF, v30  }
0x51: {  	v15 =	vmul.f32 v31, v8;
	v16 =	vshra.s32 v10, $0x1;
	v10 =	vmul.f32 $5.000000000e-01, v10  }
0x52: {  	v11 =	vsub.f32 $1.500000000e+00, v29;
	v32 =	vsub.s32 $0x5F3759DF, v16  }
0x53: {  	v15 =	vmul.f32 v31, v15;
	v16 =	vmul.f32 v32, v10  }
0x54: {  	v17 =	vmul.f32 v13, v4;
	v11 =	vmul.f32 v14, v11  }
0x55: {  	v5 =	vmul.f32 v9, v5;
	v15 =	vsub.f32 $1.500000000e+00, v15;
	v16 =	vmul.f32 v32, v16  }
0x56: {  	v17 =	vmul.f32 v17, v13;
	v18 =	vmul.f32 v11, v6  }
0x57: {  	v12 =	vmul.f32 v31, v15;
	v33 =	vsub.f32 $1.500000000e+00, v16  }
0x58: {  	v0 =	vmul.f32 v5, v0;
	v17 =	vsub.f32 $1.500000000e+00, v17;
	v18 =	vmul.f32 v18, v11  }
0x59: {  	v36 =	vmul.f32 v12, v8;
	v14 =	vmul.f32 v32, v33  }
0x5a: {  	v0 =	vmul.f32 v0, v5;
	v34 =	vmul.f32 v17, v13;
	v35 =	vsub.f32 $1.500000000e+00, v18  }
0x5b: {  	v37 =	vmul.f32 v36, v12;
	v38 =	vmul.f32 v14, v10  }
0x5c: {  	v39 =	vmul.f32 v34, v4;
	v11 =	vmul.f32 v35, v11  }
0x5d: {  	v13 =	vsub.f32 $1.500000000e+00, v37;
	v15 =	vmul.f32 v38, v14  }
0x5e: {  	v0 =	vsub.f32 $1.500000000e+00, v0;
	v4 =	vmul.f32 v39, v34;
	v40 =	vmul.f32 v11, v6  }
0x5f: {  	v3 =	vmul.f32 v7, v3;
	v41 =	vld [tilespmem:s17+$0x0];
	v12 =	vmul.f32 v13, v12;
	v42 =	vsub.f32 $1.500000000e+00, v15  }
0x60: {  	v0 =	vmul.f32 v0, v5;
	v4 =	vsub.f32 $1.500000000e+00, v4;
	v43 =	vmul.f32 v40, v11  }
0x61: {  	v44 =	vld [tilespmem:s18+$0x0];
	v3 =	vmin.f32 v3, $1.000000000e+10;
	v8 =	vmul.f32 v12, v8;
	v13 =	vmul.f32 v42, v14  }
0x62: {  	v2 =	vmul.f32 v3, v2;
	v0 =	vmin.f32 v0, $1.000000000e+10;
	v45 =	vmul.f32 v4, v34  }
0x63: {  	v46 =	vld [tilespmem:s19+$0x0];
	v5 =	vsub.f32 $1.500000000e+00, v43;
	v8 =	vmul.f32 v8, v12;
	v47 =	vmul.f32 v13, v10  }
0x64: {  	v1 =	vadd.f32 v2, v1;
	v0 =	vmul.f32 v0, v41;
	v48 =	vmin.f32 v45, $1.000000000e+10  }
0x65: {  	v50 =	vld [tilespmem:s20+$0x0];
	v49 =	vmul.f32 v5, v11;
	v51 =	vsub.f32 $1.500000000e+00, v8;
	v52 =	vmul.f32 v47, v13  }
0x66: {  	v0 =	vadd.f32 v0, v1;
	v53 =	vmul.f32 v48, v44  }
0x67: {  	v56 =	vld [tilespmem:s21+$0x0];
	v54 =	vmin.f32 v49, $1.000000000e+10;
	v55 =	vmul.f32 v51, v12;
	v57 =	vsub.f32 $1.500000000e+00, v52  }
0x68: {  	v0 =	vadd.f32 v53, v0;
	v58 =	vmul.f32 v54, v46  }
0x69: {  	v59 =	vmin.f32 v55, $1.000000000e+10;
	v60 =	vmul.f32 v57, v13  }
0x6a: {  	v0 =	vadd.f32 v58, v0;
	v61 =	vmul.f32 v59, v50  }
0x6b: {  	v62 =	vmin.f32 v60, $1.000000000e+10  }
0x6c: {  	v0 =	vadd.f32 v61, v0;
	v63 =	vmul.f32 v62, v56;
	_ =	sdelay $0x1  }
0x6d: {  	s16 =	sadd.s32 $0x1, s16;
	v0 =	vadd.f32 v63, v0  }
0x6e: {  	p0 =	sne.s32 s16, s9  }
.Ltmp1:
0x6f: {  	[tilespmem:$0x1A80] =	vst v0;
	(pc) =	sbr.rel @p0 .LBB2_1-.Ltmp1, $4  }
0x70: {  	[hbm4b:s8+s4] =	stream.linear.scatter [tilespmem:s15], [sflag:$0x1], $0x80, $0x38;
	[tilespmem:$0x1B00] =	vst v63  }
0x71: {  	_ =	swait.ge [sflag:s10], $0x80  }
0x72: {  	[sflag:s10] =	ssyncset.done $0x0  }
0x73: {  	[sflag:s10] =	ssyncadd.s32 $0xFFFFFF80  }
0x74: {  	_ =	sfence.sel $0x180000  }
0x75: {  	[bflag:$0x0] =	sbarrier.arrive $0xFFFF  }
0x76: {  	p0 =	sne.s32 s2, $0x0;
	_ =	strace $0x90000047  }
0x77: {  	s0 =	sadd.s32 @!p0 $0x100000, s0;
	[bflag:$0x2] =	sbarrier.arrive $0xFFFF  }
0x78: {  	[sflag:s0] =	ssyncadd.tile.s32 @!p0 $0x1;
	_ =	shalt  }
.Lfunc_end2:
_tile_overlayer_lowered:
.L_overlay_start_2:
0x79: {  	(tag) =	ssettag $0x2  }
0x7a: {  	s0 =	rddreg [dreg:$0x0];
	s2 =	stileid.u32  }
0x7b: {  	s1 =	rddreg [dreg:$0x1];
	p0 =	sne.s32 s2, $0x0  }
0x7c: {  	s3 =	rddreg [dreg:$0x2];
	[bflag:$0x3] =	sbarrier.arrive $0xFFFF;
	s2 =	simm.s32 @!p0 $0x1C01  }
0x7d: {  	[timem:s3], [sflag:s2] =	dma.local @!p0 [hbm:s0], s1  }
0x7e: {  	s0 =	simm.s32 @!p0 $0x1  }
0x7f: {  	_ =	swait.ge @!p0 [sflag:s0], s1  }
0x80: {  	s1 =	ssub.s32 @!p0 $0x0, s1;
	[sflag:s0] =	ssyncset.done @!p0 $0x0  }
0x81: {  	[sflag:s0] =	ssyncadd.s32 @!p0 s1  }
0x82: {  	[bflag:$0x3] =	sbarrier.arrive $0xFFFF  }
0x83: {  	_ =	shalt  }

</sc_bundles>
